<compile_context>
chip_gen: v7x
topology: tpu7x:2x2x1
jax: 0.10.2.dev20260603
libtpu: 0.0.44.dev20260713+nightly
codegen_flags: <defaults>
</compile_context>

<pallas_src>
import functools

import jax
import jax.numpy as jnp
from jax import lax
from jax.experimental import pallas as pl
from jax.experimental.pallas import tpu as pltpu
from jax.experimental.pallas import tpu_sc as plsc

B, H, W = 4, 512, 512
HW = H * W
NC, NS, L = 2, 16, 16
NW = NC * NS
NPAIR = 8192
PAIRS_W = 1024
NVAL = 2 * PAIRS_W
CHUNK = 128
NCHUNK = NVAL // CHUNK
BLK = 128
NBLK = PAIRS_W // BLK


def _sc_gather(g_hbm, x_hbm, out_hbm, idx_v, vals_v, vi_v, sem, sem2, sem3, sem4, osem):
    wid = lax.axis_index("s") * NC + lax.axis_index("c")
    half = wid // 16
    w2 = wid % 16
    b = w2 // 4
    q = w2 % 4

    row = half * 4 + q
    sems = (sem, sem2, sem3, sem4)
    for h in range(2):
        hs = pl.ds(h * (NVAL // 2), NVAL // 2)
        pltpu.sync_copy(g_hbm.at[b, row, hs], idx_v.at[hs])
        for j in range(h * NCHUNK // 2, (h + 1) * NCHUNK // 2):
            pltpu.async_copy(
                x_hbm.at[idx_v.at[pl.ds(j * CHUNK, CHUNK)]],
                vals_v.at[pl.ds(j * CHUNK, CHUNK)],
                sems[j * 4 // NCHUNK],
            )

    lane = lax.iota(jnp.int32, L)
    rows0 = lax.shift_right_logical(lane, 1)
    cols = lax.bitwise_and(lane, 1)
    pair0 = half * (NPAIR // 2) + q * PAIRS_W
    out_blk = lambda blk: out_hbm.at[b, pl.ds(pair0 + blk * BLK, BLK), :]

    def _block(blk, carry):
        slot = lax.rem(blk, 2)
        slot_v = lax.broadcast(slot, (L,))

        @pl.when(blk >= 2)
        def _():
            pltpu.make_async_copy(out_blk(blk), vi_v.at[slot], osem).wait()

        for i in range(2 * BLK // L):
            v = vals_v[pl.ds(blk * 2 * BLK + i * L, L)]
            plsc.store_scatter(
                vi_v, [slot_v, rows0 + i * (L // 2), cols], v
            )
        pltpu.async_copy(vi_v.at[slot], out_blk(blk), osem)
        return carry

    for grp in range(4):
        for j in range(NCHUNK // 4):
            pltpu.make_async_copy(
                x_hbm.at[pl.ds(0, CHUNK)],
                vals_v.at[pl.ds(j * CHUNK, CHUNK)],
                sems[grp],
            ).wait()
        lax.fori_loop(grp * NBLK // 4, (grp + 1) * NBLK // 4, _block, 0)

    pltpu.make_async_copy(out_blk(NBLK - 2), vi_v.at[0], osem).wait()
    pltpu.make_async_copy(out_blk(NBLK - 1), vi_v.at[1], osem).wait()


@jax.jit
def kernel(X, cof0, cof1):
    b = X.shape[0]
    xflat = X.reshape(-1)
    base = (jnp.arange(b, dtype=jnp.int32) * HW)[:, None, None]
    g = jnp.concatenate(
        [
            (cof0.astype(jnp.int32) + base).reshape(b, 4, NVAL),
            (cof1.astype(jnp.int32) + base).reshape(b, 4, NVAL),
        ],
        axis=1,
    )

    mesh = plsc.VectorSubcoreMesh(core_axis_name="c", subcore_axis_name="s")
    run = functools.partial(
        pl.kernel,
        mesh=mesh,
        compiler_params=pltpu.CompilerParams(needs_layout_passes=False),
        out_type=jax.ShapeDtypeStruct((b, NPAIR, 2), jnp.float32),
        scratch_types=[
            pltpu.VMEM((NVAL,), jnp.int32),
            pltpu.VMEM((NVAL,), jnp.float32),
            pltpu.VMEM((2, BLK, 2), jnp.float32),
            pltpu.SemaphoreType.DMA,
            pltpu.SemaphoreType.DMA,
            pltpu.SemaphoreType.DMA,
            pltpu.SemaphoreType.DMA,
            pltpu.SemaphoreType.DMA,
        ],
    )(_sc_gather)
    return run(g, xflat)

# --- scband reference (transcript-rebuilt; emitter-appended) ---
"""Pipeline reference for scband-differentiable-cubical-layer-56100862820702 (READ-ONLY COPY).

The authoritative reference and input builder live on the scoring server;
editing this copy changes nothing except your own understanding.
"""

import jax, jax.numpy as jnp
import numpy as np

B, H, W = 4, 512, 512
N0, N1 = 4096, 4096  # number of persistence pairs per sample for dims 0 and 1


def setup_inputs(seed: int = 0) -> dict:
    key = jax.random.key(seed)
    k1, k2, k3 = jax.random.split(key, 3)
    X = jax.random.normal(k1, (B, H, W), dtype=jnp.float32)
    # The GUDHI cubical-complex topology computation is non-differentiable and
    # operates on detached numpy data; its only role in the computational graph
    # is to produce integer indices of topologically critical pixels.  We model
    # those cofaces-of-persistence-pairs index arrays as precomputed int inputs
    # (one (birth_idx, death_idx) pair per persistence pair, per homology dim).
    cof0 = jax.random.randint(k2, (B, N0, 2), 0, H * W, dtype=jnp.int64)
    cof1 = jax.random.randint(k3, (B, N1, 2), 0, H * W, dtype=jnp.int64)
    return {"X": X, "cof0": cof0, "cof1": cof1}


def reference(X, cof0, cof1):
    # Differentiable part of the layer: gather critical pixel values from the
    # flattened input via the (detached) critical indices, reshape into
    # (n_pairs, 2) birth/death diagrams.  min_persistence = 0 -> no filtering.
    b = X.shape[0]
    Xflat = X.reshape(b, -1)
    d0 = jnp.take_along_axis(Xflat, cof0.reshape(b, -1), axis=1).reshape(b, -1, 2)
    d1 = jnp.take_along_axis(Xflat, cof1.reshape(b, -1), axis=1).reshape(b, -1, 2)
    # Stack diagrams for both homology dimensions along the pairs axis so the
    # output is a single array: (B, N0 + N1, 2)
    return jnp.concatenate([d0, d1], axis=1)

if __name__ == "__main__":
    import jax
    _d = setup_inputs()
    print(jax.jit(kernel)(*tuple(_d.values())))

</pallas_src>

<mosaic_0001>
#map = affine_map<(d0, d1) -> (0, 0, 0)>
#map1 = affine_map<(d0, d1) -> (0)>
module attributes {stable_mosaic.version = 14 : i64} {
  func.func @_sc_gather(%arg0: i32, %arg1: i32, %arg2: memref<4x8x2048xi32, #tpu.memory_space<hbm>>, %arg3: memref<1048576xf32, #tpu.memory_space<hbm>>, %arg4: memref<4x8192x2xf32, #tpu.memory_space<hbm>>, %arg5: memref<2048xi32, #tpu.memory_space<vmem>>, %arg6: memref<2048xf32, #tpu.memory_space<vmem>>, %arg7: memref<2x128x2xf32, #tpu.memory_space<vmem>>, %arg8: memref<!tpu.dma_semaphore, #tpu.memory_space<semaphore_mem>>, %arg9: memref<!tpu.dma_semaphore, #tpu.memory_space<semaphore_mem>>, %arg10: memref<!tpu.dma_semaphore, #tpu.memory_space<semaphore_mem>>, %arg11: memref<!tpu.dma_semaphore, #tpu.memory_space<semaphore_mem>>, %arg12: memref<!tpu.dma_semaphore, #tpu.memory_space<semaphore_mem>>) attributes {dimension_semantics = [#tpu.dimension_semantics<core_parallel>, #tpu.dimension_semantics<subcore_parallel>], iteration_bounds = array<i64: 2, 16>, scalar_prefetch = 0 : i64, scratch_operands = 8 : i64, tpu.core_type = #tpu.core_type<sc_vector_subcore>, window_params = [{transform_indices = #map}, {transform_indices = #map1}, {transform_indices = #map}]} {
    %mul3A = arith.constant 2 : i32
    %mul3A_0 = arith.muli %arg1, %mul3A : i32
    %add3A = arith.addi %mul3A_0, %arg0 : i32
    %jit3A = arith.constant 16 : i32
    %div3A = arith.divsi %add3A, %jit3A : i32
    %sign3A = arith.constant 0 : i32
    %sign3A_1 = arith.cmpi sgt, %add3A, %sign3A : i32
    %sign3A_2 = arith.extui %sign3A_1 : i1 to i32
    %sign3A_3 = arith.constant 0 : i32
    %sign3A_4 = arith.cmpi slt, %add3A, %sign3A_3 : i32
    %sign3A_5 = arith.extui %sign3A_4 : i1 to i32
    %sign3A_6 = arith.subi %sign3A_2, %sign3A_5 : i32
    %sign3A_7 = arith.constant 0 : i32
    %sign3A_8 = arith.cmpi sgt, %jit3A, %sign3A_7 : i32
    %sign3A_9 = arith.extui %sign3A_8 : i1 to i32
    %sign3A_10 = arith.constant 0 : i32
    %sign3A_11 = arith.cmpi slt, %jit3A, %sign3A_10 : i32
    %sign3A_12 = arith.extui %sign3A_11 : i1 to i32
    %sign3A_13 = arith.subi %sign3A_9, %sign3A_12 : i32
    %ne3A = arith.cmpi ne, %sign3A_6, %sign3A_13 : i32
    %rem3A = arith.remsi %add3A, %jit3A : i32
    %ne3A_14 = arith.constant 0 : i32
    %ne3A_15 = arith.cmpi ne, %rem3A, %ne3A_14 : i32
    %and3A = arith.andi %ne3A, %ne3A_15 : i1
    %sub3A = arith.constant 1 : i32
    %sub3A_16 = arith.subi %div3A, %sub3A : i32
    %select_n3A = arith.select %and3A, %sub3A_16, %div3A : i32
    %jit3A_17 = arith.constant 16 : i32
    %eq3A = arith.constant 0 : i32
    %eq3A_18 = arith.cmpi eq, %jit3A_17, %eq3A : i32
    %jit3A_19 = arith.constant 1 : i32
    %select_n3A_20 = arith.select %eq3A_18, %jit3A_19, %jit3A_17 : i32
    %rem3A_21 = arith.remsi %add3A, %select_n3A_20 : i32
    %ne3A_22 = arith.constant 0 : i32
    %ne3A_23 = arith.cmpi ne, %rem3A_21, %ne3A_22 : i32
    %lt3A = arith.constant 0 : i32
    %lt3A_24 = arith.cmpi slt, %rem3A_21, %lt3A : i32
    %lt3A_25 = arith.constant 0 : i32
    %lt3A_26 = arith.cmpi slt, %select_n3A_20, %lt3A_25 : i32
    %ne3A_27 = arith.xori %lt3A_24, %lt3A_26 : i1
    %and3A_28 = arith.andi %ne3A_27, %ne3A_23 : i1
    %add3A_29 = arith.addi %rem3A_21, %select_n3A_20 : i32
    %select_n3A_30 = arith.select %and3A_28, %add3A_29, %rem3A_21 : i32
    %jit3A_31 = arith.constant 4 : i32
    %div3A_32 = arith.divsi %select_n3A_30, %jit3A_31 : i32
    %sign3A_33 = arith.constant 0 : i32
    %sign3A_34 = arith.cmpi sgt, %select_n3A_30, %sign3A_33 : i32
    %sign3A_35 = arith.extui %sign3A_34 : i1 to i32
    %sign3A_36 = arith.constant 0 : i32
    %sign3A_37 = arith.cmpi slt, %select_n3A_30, %sign3A_36 : i32
    %sign3A_38 = arith.extui %sign3A_37 : i1 to i32
    %sign3A_39 = arith.subi %sign3A_35, %sign3A_38 : i32
    %sign3A_40 = arith.constant 0 : i32
    %sign3A_41 = arith.cmpi sgt, %jit3A_31, %sign3A_40 : i32
    %sign3A_42 = arith.extui %sign3A_41 : i1 to i32
    %sign3A_43 = arith.constant 0 : i32
    %sign3A_44 = arith.cmpi slt, %jit3A_31, %sign3A_43 : i32
    %sign3A_45 = arith.extui %sign3A_44 : i1 to i32
    %sign3A_46 = arith.subi %sign3A_42, %sign3A_45 : i32
    %ne3A_47 = arith.cmpi ne, %sign3A_39, %sign3A_46 : i32
    %rem3A_48 = arith.remsi %select_n3A_30, %jit3A_31 : i32
    %ne3A_49 = arith.constant 0 : i32
    %ne3A_50 = arith.cmpi ne, %rem3A_48, %ne3A_49 : i32
    %and3A_51 = arith.andi %ne3A_47, %ne3A_50 : i1
    %sub3A_52 = arith.constant 1 : i32
    %sub3A_53 = arith.subi %div3A_32, %sub3A_52 : i32
    %select_n3A_54 = arith.select %and3A_51, %sub3A_53, %div3A_32 : i32
    %jit3A_55 = arith.constant 4 : i32
    %eq3A_56 = arith.constant 0 : i32
    %eq3A_57 = arith.cmpi eq, %jit3A_55, %eq3A_56 : i32
    %jit3A_58 = arith.constant 1 : i32
    %select_n3A_59 = arith.select %eq3A_57, %jit3A_58, %jit3A_55 : i32
    %rem3A_60 = arith.remsi %select_n3A_30, %select_n3A_59 : i32
    %ne3A_61 = arith.constant 0 : i32
    %ne3A_62 = arith.cmpi ne, %rem3A_60, %ne3A_61 : i32
    %lt3A_63 = arith.constant 0 : i32
    %lt3A_64 = arith.cmpi slt, %rem3A_60, %lt3A_63 : i32
    %lt3A_65 = arith.constant 0 : i32
    %lt3A_66 = arith.cmpi slt, %select_n3A_59, %lt3A_65 : i32
    %ne3A_67 = arith.xori %lt3A_64, %lt3A_66 : i1
    %and3A_68 = arith.andi %ne3A_67, %ne3A_62 : i1
    %add3A_69 = arith.addi %rem3A_60, %select_n3A_59 : i32
    %select_n3A_70 = arith.select %and3A_68, %add3A_69, %rem3A_60 : i32
    %mul3A_71 = arith.constant 4 : i32
    %mul3A_72 = arith.muli %select_n3A, %mul3A_71 : i32
    %add3A_73 = arith.addi %mul3A_72, %select_n3A_70 : i32
    "tpu.region"() ({
      %run_scoped3A = tpu.sem_alloc : memref<!tpu.dma_semaphore, #tpu.memory_space<semaphore_mem>>
      %dma_start3A_363 = arith.constant 0 : i32
      %dma_start3A_364 = tpu.memref_slice %arg5[%dma_start3A_363] : memref<2048xi32, #tpu.memory_space<vmem>> -> memref<1024xi32, #tpu.memory_space<vmem>>
      %dma_start3A_365 = arith.constant 0 : i32
      %dma_start3A_366 = tpu.memref_slice %arg2[%select_n3A_54, %add3A_73, %dma_start3A_365] : memref<4x8x2048xi32, #tpu.memory_space<hbm>> -> memref<1x1x1024xi32, #tpu.memory_space<hbm>>
      %dma_start3A_367 = tpu.memref_squeeze %dma_start3A_366 : memref<1x1x1024xi32, #tpu.memory_space<hbm>> -> memref<1024xi32, #tpu.memory_space<hbm>>
      %dma_start3A_368 = arith.constant 0 : i32
      %dma_start3A_369 = tpu.memref_slice %arg5[%dma_start3A_368] : memref<2048xi32, #tpu.memory_space<vmem>> -> memref<1024xi32, #tpu.memory_space<vmem>>
      %dma_start3A_370 = arith.constant 0 : i32
      %dma_start3A_371 = tpu.memref_slice %arg2[%select_n3A_54, %add3A_73, %dma_start3A_370] : memref<4x8x2048xi32, #tpu.memory_space<hbm>> -> memref<1x1x1024xi32, #tpu.memory_space<hbm>>
      %dma_start3A_372 = tpu.memref_squeeze %dma_start3A_371 : memref<1x1x1024xi32, #tpu.memory_space<hbm>> -> memref<1024xi32, #tpu.memory_space<hbm>>
      tpu.enqueue_dma source(%dma_start3A_372 : memref<1024xi32, #tpu.memory_space<hbm>>) target(%dma_start3A_369 : memref<1024xi32, #tpu.memory_space<vmem>>) target_semaphore(%run_scoped3A : memref<!tpu.dma_semaphore, #tpu.memory_space<semaphore_mem>>)
      %dma_wait3A_373 = arith.constant 0 : i32
      %dma_wait3A_374 = tpu.memref_slice %arg5[%dma_wait3A_373] : memref<2048xi32, #tpu.memory_space<vmem>> -> memref<1024xi32, #tpu.memory_space<vmem>>
      %dma_wait3A_375 = arith.constant 0 : i32
      %dma_wait3A_376 = tpu.memref_slice %arg2[%select_n3A_54, %add3A_73, %dma_wait3A_375] : memref<4x8x2048xi32, #tpu.memory_space<hbm>> -> memref<1x1x1024xi32, #tpu.memory_space<hbm>>
      %dma_wait3A_377 = tpu.memref_squeeze %dma_wait3A_376 : memref<1x1x1024xi32, #tpu.memory_space<hbm>> -> memref<1024xi32, #tpu.memory_space<hbm>>
      %dma_wait3A_378 = arith.constant 0 : i32
      %dma_wait3A_379 = tpu.memref_slice %arg5[%dma_wait3A_378] : memref<2048xi32, #tpu.memory_space<vmem>> -> memref<1024xi32, #tpu.memory_space<vmem>>
      %dma_wait3A_380 = arith.constant 0 : i32
      %dma_wait3A_381 = tpu.memref_slice %arg2[%select_n3A_54, %add3A_73, %dma_wait3A_380] : memref<4x8x2048xi32, #tpu.memory_space<hbm>> -> memref<1x1x1024xi32, #tpu.memory_space<hbm>>
      %dma_wait3A_382 = tpu.memref_squeeze %dma_wait3A_381 : memref<1x1x1024xi32, #tpu.memory_space<hbm>> -> memref<1024xi32, #tpu.memory_space<hbm>>
      tpu.wait_dma2 semaphore(%run_scoped3A : memref<!tpu.dma_semaphore, #tpu.memory_space<semaphore_mem>>) src(%dma_wait3A_382 : memref<1024xi32, #tpu.memory_space<hbm>>) dst(%dma_wait3A_379 : memref<1024xi32, #tpu.memory_space<vmem>>)
      tpu.yield
    }) : () -> ()
    %dma_start3A = arith.constant 0 : i32
    %dma_start3A_74 = tpu.memref_slice %arg6[%dma_start3A] : memref<2048xf32, #tpu.memory_space<vmem>> -> memref<128xf32, #tpu.memory_space<vmem>>
    %dma_start3A_75 = arith.constant 0 : i32
    %dma_start3A_76 = tpu.memref_slice %arg5[%dma_start3A_75] : memref<2048xi32, #tpu.memory_space<vmem>> -> memref<128xi32, #tpu.memory_space<vmem>>
    %dma_start3A_77 = arith.constant 0 : i32
    %dma_start3A_78 = tpu.memref_slice %arg3[%dma_start3A_77] : memref<1048576xf32, #tpu.memory_space<hbm>> -> memref<1048576xf32, #tpu.memory_space<hbm>>
    tpu.enqueue_indirect_dma source(%dma_start3A_78 : memref<1048576xf32, #tpu.memory_space<hbm>>) target(%dma_start3A_74 : memref<128xf32, #tpu.memory_space<vmem>>) offsets(%dma_start3A_76 : memref<128xi32, #tpu.memory_space<vmem>>) semaphore(%arg8 : memref<!tpu.dma_semaphore, #tpu.memory_space<semaphore_mem>>)
    %dma_start3A_79 = arith.constant 128 : i32
    %dma_start3A_80 = tpu.memref_slice %arg6[%dma_start3A_79] : memref<2048xf32, #tpu.memory_space<vmem>> -> memref<128xf32, #tpu.memory_space<vmem>>
    %dma_start3A_81 = arith.constant 128 : i32
    %dma_start3A_82 = tpu.memref_slice %arg5[%dma_start3A_81] : memref<2048xi32, #tpu.memory_space<vmem>> -> memref<128xi32, #tpu.memory_space<vmem>>
    %dma_start3A_83 = arith.constant 0 : i32
    %dma_start3A_84 = tpu.memref_slice %arg3[%dma_start3A_83] : memref<1048576xf32, #tpu.memory_space<hbm>> -> memref<1048576xf32, #tpu.memory_space<hbm>>
    tpu.enqueue_indirect_dma source(%dma_start3A_84 : memref<1048576xf32, #tpu.memory_space<hbm>>) target(%dma_start3A_80 : memref<128xf32, #tpu.memory_space<vmem>>) offsets(%dma_start3A_82 : memref<128xi32, #tpu.memory_space<vmem>>) semaphore(%arg8 : memref<!tpu.dma_semaphore, #tpu.memory_space<semaphore_mem>>)
    %dma_start3A_85 = arith.constant 256 : i32
    %dma_start3A_86 = tpu.memref_slice %arg6[%dma_start3A_85] : memref<2048xf32, #tpu.memory_space<vmem>> -> memref<128xf32, #tpu.memory_space<vmem>>
    %dma_start3A_87 = arith.constant 256 : i32
    %dma_start3A_88 = tpu.memref_slice %arg5[%dma_start3A_87] : memref<2048xi32, #tpu.memory_space<vmem>> -> memref<128xi32, #tpu.memory_space<vmem>>
    %dma_start3A_89 = arith.constant 0 : i32
    %dma_start3A_90 = tpu.memref_slice %arg3[%dma_start3A_89] : memref<1048576xf32, #tpu.memory_space<hbm>> -> memref<1048576xf32, #tpu.memory_space<hbm>>
    tpu.enqueue_indirect_dma source(%dma_start3A_90 : memref<1048576xf32, #tpu.memory_space<hbm>>) target(%dma_start3A_86 : memref<128xf32, #tpu.memory_space<vmem>>) offsets(%dma_start3A_88 : memref<128xi32, #tpu.memory_space<vmem>>) semaphore(%arg8 : memref<!tpu.dma_semaphore, #tpu.memory_space<semaphore_mem>>)
    %dma_start3A_91 = arith.constant 384 : i32
    %dma_start3A_92 = tpu.memref_slice %arg6[%dma_start3A_91] : memref<2048xf32, #tpu.memory_space<vmem>> -> memref<128xf32, #tpu.memory_space<vmem>>
    %dma_start3A_93 = arith.constant 384 : i32
    %dma_start3A_94 = tpu.memref_slice %arg5[%dma_start3A_93] : memref<2048xi32, #tpu.memory_space<vmem>> -> memref<128xi32, #tpu.memory_space<vmem>>
    %dma_start3A_95 = arith.constant 0 : i32
    %dma_start3A_96 = tpu.memref_slice %arg3[%dma_start3A_95] : memref<1048576xf32, #tpu.memory_space<hbm>> -> memref<1048576xf32, #tpu.memory_space<hbm>>
    tpu.enqueue_indirect_dma source(%dma_start3A_96 : memref<1048576xf32, #tpu.memory_space<hbm>>) target(%dma_start3A_92 : memref<128xf32, #tpu.memory_space<vmem>>) offsets(%dma_start3A_94 : memref<128xi32, #tpu.memory_space<vmem>>) semaphore(%arg8 : memref<!tpu.dma_semaphore, #tpu.memory_space<semaphore_mem>>)
    %dma_start3A_97 = arith.constant 512 : i32
    %dma_start3A_98 = tpu.memref_slice %arg6[%dma_start3A_97] : memref<2048xf32, #tpu.memory_space<vmem>> -> memref<128xf32, #tpu.memory_space<vmem>>
    %dma_start3A_99 = arith.constant 512 : i32
    %dma_start3A_100 = tpu.memref_slice %arg5[%dma_start3A_99] : memref<2048xi32, #tpu.memory_space<vmem>> -> memref<128xi32, #tpu.memory_space<vmem>>
    %dma_start3A_101 = arith.constant 0 : i32
    %dma_start3A_102 = tpu.memref_slice %arg3[%dma_start3A_101] : memref<1048576xf32, #tpu.memory_space<hbm>> -> memref<1048576xf32, #tpu.memory_space<hbm>>
    tpu.enqueue_indirect_dma source(%dma_start3A_102 : memref<1048576xf32, #tpu.memory_space<hbm>>) target(%dma_start3A_98 : memref<128xf32, #tpu.memory_space<vmem>>) offsets(%dma_start3A_100 : memref<128xi32, #tpu.memory_space<vmem>>) semaphore(%arg9 : memref<!tpu.dma_semaphore, #tpu.memory_space<semaphore_mem>>)
    %dma_start3A_103 = arith.constant 640 : i32
    %dma_start3A_104 = tpu.memref_slice %arg6[%dma_start3A_103] : memref<2048xf32, #tpu.memory_space<vmem>> -> memref<128xf32, #tpu.memory_space<vmem>>
    %dma_start3A_105 = arith.constant 640 : i32
    %dma_start3A_106 = tpu.memref_slice %arg5[%dma_start3A_105] : memref<2048xi32, #tpu.memory_space<vmem>> -> memref<128xi32, #tpu.memory_space<vmem>>
    %dma_start3A_107 = arith.constant 0 : i32
    %dma_start3A_108 = tpu.memref_slice %arg3[%dma_start3A_107] : memref<1048576xf32, #tpu.memory_space<hbm>> -> memref<1048576xf32, #tpu.memory_space<hbm>>
    tpu.enqueue_indirect_dma source(%dma_start3A_108 : memref<1048576xf32, #tpu.memory_space<hbm>>) target(%dma_start3A_104 : memref<128xf32, #tpu.memory_space<vmem>>) offsets(%dma_start3A_106 : memref<128xi32, #tpu.memory_space<vmem>>) semaphore(%arg9 : memref<!tpu.dma_semaphore, #tpu.memory_space<semaphore_mem>>)
    %dma_start3A_109 = arith.constant 768 : i32
    %dma_start3A_110 = tpu.memref_slice %arg6[%dma_start3A_109] : memref<2048xf32, #tpu.memory_space<vmem>> -> memref<128xf32, #tpu.memory_space<vmem>>
    %dma_start3A_111 = arith.constant 768 : i32
    %dma_start3A_112 = tpu.memref_slice %arg5[%dma_start3A_111] : memref<2048xi32, #tpu.memory_space<vmem>> -> memref<128xi32, #tpu.memory_space<vmem>>
    %dma_start3A_113 = arith.constant 0 : i32
    %dma_start3A_114 = tpu.memref_slice %arg3[%dma_start3A_113] : memref<1048576xf32, #tpu.memory_space<hbm>> -> memref<1048576xf32, #tpu.memory_space<hbm>>
    tpu.enqueue_indirect_dma source(%dma_start3A_114 : memref<1048576xf32, #tpu.memory_space<hbm>>) target(%dma_start3A_110 : memref<128xf32, #tpu.memory_space<vmem>>) offsets(%dma_start3A_112 : memref<128xi32, #tpu.memory_space<vmem>>) semaphore(%arg9 : memref<!tpu.dma_semaphore, #tpu.memory_space<semaphore_mem>>)
    %dma_start3A_115 = arith.constant 896 : i32
    %dma_start3A_116 = tpu.memref_slice %arg6[%dma_start3A_115] : memref<2048xf32, #tpu.memory_space<vmem>> -> memref<128xf32, #tpu.memory_space<vmem>>
    %dma_start3A_117 = arith.constant 896 : i32
    %dma_start3A_118 = tpu.memref_slice %arg5[%dma_start3A_117] : memref<2048xi32, #tpu.memory_space<vmem>> -> memref<128xi32, #tpu.memory_space<vmem>>
    %dma_start3A_119 = arith.constant 0 : i32
    %dma_start3A_120 = tpu.memref_slice %arg3[%dma_start3A_119] : memref<1048576xf32, #tpu.memory_space<hbm>> -> memref<1048576xf32, #tpu.memory_space<hbm>>
    tpu.enqueue_indirect_dma source(%dma_start3A_120 : memref<1048576xf32, #tpu.memory_space<hbm>>) target(%dma_start3A_116 : memref<128xf32, #tpu.memory_space<vmem>>) offsets(%dma_start3A_118 : memref<128xi32, #tpu.memory_space<vmem>>) semaphore(%arg9 : memref<!tpu.dma_semaphore, #tpu.memory_space<semaphore_mem>>)
    "tpu.region"() ({
      %run_scoped3A = tpu.sem_alloc : memref<!tpu.dma_semaphore, #tpu.memory_space<semaphore_mem>>
      %dma_start3A_363 = arith.constant 1024 : i32
      %dma_start3A_364 = tpu.memref_slice %arg5[%dma_start3A_363] : memref<2048xi32, #tpu.memory_space<vmem>> -> memref<1024xi32, #tpu.memory_space<vmem>>
      %dma_start3A_365 = arith.constant 1024 : i32
      %dma_start3A_366 = tpu.memref_slice %arg2[%select_n3A_54, %add3A_73, %dma_start3A_365] : memref<4x8x2048xi32, #tpu.memory_space<hbm>> -> memref<1x1x1024xi32, #tpu.memory_space<hbm>>
      %dma_start3A_367 = tpu.memref_squeeze %dma_start3A_366 : memref<1x1x1024xi32, #tpu.memory_space<hbm>> -> memref<1024xi32, #tpu.memory_space<hbm>>
      %dma_start3A_368 = arith.constant 1024 : i32
      %dma_start3A_369 = tpu.memref_slice %arg5[%dma_start3A_368] : memref<2048xi32, #tpu.memory_space<vmem>> -> memref<1024xi32, #tpu.memory_space<vmem>>
      %dma_start3A_370 = arith.constant 1024 : i32
      %dma_start3A_371 = tpu.memref_slice %arg2[%select_n3A_54, %add3A_73, %dma_start3A_370] : memref<4x8x2048xi32, #tpu.memory_space<hbm>> -> memref<1x1x1024xi32, #tpu.memory_space<hbm>>
      %dma_start3A_372 = tpu.memref_squeeze %dma_start3A_371 : memref<1x1x1024xi32, #tpu.memory_space<hbm>> -> memref<1024xi32, #tpu.memory_space<hbm>>
      tpu.enqueue_dma source(%dma_start3A_372 : memref<1024xi32, #tpu.memory_space<hbm>>) target(%dma_start3A_369 : memref<1024xi32, #tpu.memory_space<vmem>>) target_semaphore(%run_scoped3A : memref<!tpu.dma_semaphore, #tpu.memory_space<semaphore_mem>>)
      %dma_wait3A_373 = arith.constant 1024 : i32
      %dma_wait3A_374 = tpu.memref_slice %arg5[%dma_wait3A_373] : memref<2048xi32, #tpu.memory_space<vmem>> -> memref<1024xi32, #tpu.memory_space<vmem>>
      %dma_wait3A_375 = arith.constant 1024 : i32
      %dma_wait3A_376 = tpu.memref_slice %arg2[%select_n3A_54, %add3A_73, %dma_wait3A_375] : memref<4x8x2048xi32, #tpu.memory_space<hbm>> -> memref<1x1x1024xi32, #tpu.memory_space<hbm>>
      %dma_wait3A_377 = tpu.memref_squeeze %dma_wait3A_376 : memref<1x1x1024xi32, #tpu.memory_space<hbm>> -> memref<1024xi32, #tpu.memory_space<hbm>>
      %dma_wait3A_378 = arith.constant 1024 : i32
      %dma_wait3A_379 = tpu.memref_slice %arg5[%dma_wait3A_378] : memref<2048xi32, #tpu.memory_space<vmem>> -> memref<1024xi32, #tpu.memory_space<vmem>>
      %dma_wait3A_380 = arith.constant 1024 : i32
      %dma_wait3A_381 = tpu.memref_slice %arg2[%select_n3A_54, %add3A_73, %dma_wait3A_380] : memref<4x8x2048xi32, #tpu.memory_space<hbm>> -> memref<1x1x1024xi32, #tpu.memory_space<hbm>>
      %dma_wait3A_382 = tpu.memref_squeeze %dma_wait3A_381 : memref<1x1x1024xi32, #tpu.memory_space<hbm>> -> memref<1024xi32, #tpu.memory_space<hbm>>
      tpu.wait_dma2 semaphore(%run_scoped3A : memref<!tpu.dma_semaphore, #tpu.memory_space<semaphore_mem>>) src(%dma_wait3A_382 : memref<1024xi32, #tpu.memory_space<hbm>>) dst(%dma_wait3A_379 : memref<1024xi32, #tpu.memory_space<vmem>>)
      tpu.yield
    }) : () -> ()
    %dma_start3A_121 = arith.constant 1024 : i32
    %dma_start3A_122 = tpu.memref_slice %arg6[%dma_start3A_121] : memref<2048xf32, #tpu.memory_space<vmem>> -> memref<128xf32, #tpu.memory_space<vmem>>
    %dma_start3A_123 = arith.constant 1024 : i32
    %dma_start3A_124 = tpu.memref_slice %arg5[%dma_start3A_123] : memref<2048xi32, #tpu.memory_space<vmem>> -> memref<128xi32, #tpu.memory_space<vmem>>
    %dma_start3A_125 = arith.constant 0 : i32
    %dma_start3A_126 = tpu.memref_slice %arg3[%dma_start3A_125] : memref<1048576xf32, #tpu.memory_space<hbm>> -> memref<1048576xf32, #tpu.memory_space<hbm>>
    tpu.enqueue_indirect_dma source(%dma_start3A_126 : memref<1048576xf32, #tpu.memory_space<hbm>>) target(%dma_start3A_122 : memref<128xf32, #tpu.memory_space<vmem>>) offsets(%dma_start3A_124 : memref<128xi32, #tpu.memory_space<vmem>>) semaphore(%arg10 : memref<!tpu.dma_semaphore, #tpu.memory_space<semaphore_mem>>)
    %dma_start3A_127 = arith.constant 1152 : i32
    %dma_start3A_128 = tpu.memref_slice %arg6[%dma_start3A_127] : memref<2048xf32, #tpu.memory_space<vmem>> -> memref<128xf32, #tpu.memory_space<vmem>>
    %dma_start3A_129 = arith.constant 1152 : i32
    %dma_start3A_130 = tpu.memref_slice %arg5[%dma_start3A_129] : memref<2048xi32, #tpu.memory_space<vmem>> -> memref<128xi32, #tpu.memory_space<vmem>>
    %dma_start3A_131 = arith.constant 0 : i32
    %dma_start3A_132 = tpu.memref_slice %arg3[%dma_start3A_131] : memref<1048576xf32, #tpu.memory_space<hbm>> -> memref<1048576xf32, #tpu.memory_space<hbm>>
    tpu.enqueue_indirect_dma source(%dma_start3A_132 : memref<1048576xf32, #tpu.memory_space<hbm>>) target(%dma_start3A_128 : memref<128xf32, #tpu.memory_space<vmem>>) offsets(%dma_start3A_130 : memref<128xi32, #tpu.memory_space<vmem>>) semaphore(%arg10 : memref<!tpu.dma_semaphore, #tpu.memory_space<semaphore_mem>>)
    %dma_start3A_133 = arith.constant 1280 : i32
    %dma_start3A_134 = tpu.memref_slice %arg6[%dma_start3A_133] : memref<2048xf32, #tpu.memory_space<vmem>> -> memref<128xf32, #tpu.memory_space<vmem>>
    %dma_start3A_135 = arith.constant 1280 : i32
    %dma_start3A_136 = tpu.memref_slice %arg5[%dma_start3A_135] : memref<2048xi32, #tpu.memory_space<vmem>> -> memref<128xi32, #tpu.memory_space<vmem>>
    %dma_start3A_137 = arith.constant 0 : i32
    %dma_start3A_138 = tpu.memref_slice %arg3[%dma_start3A_137] : memref<1048576xf32, #tpu.memory_space<hbm>> -> memref<1048576xf32, #tpu.memory_space<hbm>>
    tpu.enqueue_indirect_dma source(%dma_start3A_138 : memref<1048576xf32, #tpu.memory_space<hbm>>) target(%dma_start3A_134 : memref<128xf32, #tpu.memory_space<vmem>>) offsets(%dma_start3A_136 : memref<128xi32, #tpu.memory_space<vmem>>) semaphore(%arg10 : memref<!tpu.dma_semaphore, #tpu.memory_space<semaphore_mem>>)
    %dma_start3A_139 = arith.constant 1408 : i32
    %dma_start3A_140 = tpu.memref_slice %arg6[%dma_start3A_139] : memref<2048xf32, #tpu.memory_space<vmem>> -> memref<128xf32, #tpu.memory_space<vmem>>
    %dma_start3A_141 = arith.constant 1408 : i32
    %dma_start3A_142 = tpu.memref_slice %arg5[%dma_start3A_141] : memref<2048xi32, #tpu.memory_space<vmem>> -> memref<128xi32, #tpu.memory_space<vmem>>
    %dma_start3A_143 = arith.constant 0 : i32
    %dma_start3A_144 = tpu.memref_slice %arg3[%dma_start3A_143] : memref<1048576xf32, #tpu.memory_space<hbm>> -> memref<1048576xf32, #tpu.memory_space<hbm>>
    tpu.enqueue_indirect_dma source(%dma_start3A_144 : memref<1048576xf32, #tpu.memory_space<hbm>>) target(%dma_start3A_140 : memref<128xf32, #tpu.memory_space<vmem>>) offsets(%dma_start3A_142 : memref<128xi32, #tpu.memory_space<vmem>>) semaphore(%arg10 : memref<!tpu.dma_semaphore, #tpu.memory_space<semaphore_mem>>)
    %dma_start3A_145 = arith.constant 1536 : i32
    %dma_start3A_146 = tpu.memref_slice %arg6[%dma_start3A_145] : memref<2048xf32, #tpu.memory_space<vmem>> -> memref<128xf32, #tpu.memory_space<vmem>>
    %dma_start3A_147 = arith.constant 1536 : i32
    %dma_start3A_148 = tpu.memref_slice %arg5[%dma_start3A_147] : memref<2048xi32, #tpu.memory_space<vmem>> -> memref<128xi32, #tpu.memory_space<vmem>>
    %dma_start3A_149 = arith.constant 0 : i32
    %dma_start3A_150 = tpu.memref_slice %arg3[%dma_start3A_149] : memref<1048576xf32, #tpu.memory_space<hbm>> -> memref<1048576xf32, #tpu.memory_space<hbm>>
    tpu.enqueue_indirect_dma source(%dma_start3A_150 : memref<1048576xf32, #tpu.memory_space<hbm>>) target(%dma_start3A_146 : memref<128xf32, #tpu.memory_space<vmem>>) offsets(%dma_start3A_148 : memref<128xi32, #tpu.memory_space<vmem>>) semaphore(%arg11 : memref<!tpu.dma_semaphore, #tpu.memory_space<semaphore_mem>>)
    %dma_start3A_151 = arith.constant 1664 : i32
    %dma_start3A_152 = tpu.memref_slice %arg6[%dma_start3A_151] : memref<2048xf32, #tpu.memory_space<vmem>> -> memref<128xf32, #tpu.memory_space<vmem>>
    %dma_start3A_153 = arith.constant 1664 : i32
    %dma_start3A_154 = tpu.memref_slice %arg5[%dma_start3A_153] : memref<2048xi32, #tpu.memory_space<vmem>> -> memref<128xi32, #tpu.memory_space<vmem>>
    %dma_start3A_155 = arith.constant 0 : i32
    %dma_start3A_156 = tpu.memref_slice %arg3[%dma_start3A_155] : memref<1048576xf32, #tpu.memory_space<hbm>> -> memref<1048576xf32, #tpu.memory_space<hbm>>
    tpu.enqueue_indirect_dma source(%dma_start3A_156 : memref<1048576xf32, #tpu.memory_space<hbm>>) target(%dma_start3A_152 : memref<128xf32, #tpu.memory_space<vmem>>) offsets(%dma_start3A_154 : memref<128xi32, #tpu.memory_space<vmem>>) semaphore(%arg11 : memref<!tpu.dma_semaphore, #tpu.memory_space<semaphore_mem>>)
    %dma_start3A_157 = arith.constant 1792 : i32
    %dma_start3A_158 = tpu.memref_slice %arg6[%dma_start3A_157] : memref<2048xf32, #tpu.memory_space<vmem>> -> memref<128xf32, #tpu.memory_space<vmem>>
    %dma_start3A_159 = arith.constant 1792 : i32
    %dma_start3A_160 = tpu.memref_slice %arg5[%dma_start3A_159] : memref<2048xi32, #tpu.memory_space<vmem>> -> memref<128xi32, #tpu.memory_space<vmem>>
    %dma_start3A_161 = arith.constant 0 : i32
    %dma_start3A_162 = tpu.memref_slice %arg3[%dma_start3A_161] : memref<1048576xf32, #tpu.memory_space<hbm>> -> memref<1048576xf32, #tpu.memory_space<hbm>>
    tpu.enqueue_indirect_dma source(%dma_start3A_162 : memref<1048576xf32, #tpu.memory_space<hbm>>) target(%dma_start3A_158 : memref<128xf32, #tpu.memory_space<vmem>>) offsets(%dma_start3A_160 : memref<128xi32, #tpu.memory_space<vmem>>) semaphore(%arg11 : memref<!tpu.dma_semaphore, #tpu.memory_space<semaphore_mem>>)
    %dma_start3A_163 = arith.constant 1920 : i32
    %dma_start3A_164 = tpu.memref_slice %arg6[%dma_start3A_163] : memref<2048xf32, #tpu.memory_space<vmem>> -> memref<128xf32, #tpu.memory_space<vmem>>
    %dma_start3A_165 = arith.constant 1920 : i32
    %dma_start3A_166 = tpu.memref_slice %arg5[%dma_start3A_165] : memref<2048xi32, #tpu.memory_space<vmem>> -> memref<128xi32, #tpu.memory_space<vmem>>
    %dma_start3A_167 = arith.constant 0 : i32
    %dma_start3A_168 = tpu.memref_slice %arg3[%dma_start3A_167] : memref<1048576xf32, #tpu.memory_space<hbm>> -> memref<1048576xf32, #tpu.memory_space<hbm>>
    tpu.enqueue_indirect_dma source(%dma_start3A_168 : memref<1048576xf32, #tpu.memory_space<hbm>>) target(%dma_start3A_164 : memref<128xf32, #tpu.memory_space<vmem>>) offsets(%dma_start3A_166 : memref<128xi32, #tpu.memory_space<vmem>>) semaphore(%arg11 : memref<!tpu.dma_semaphore, #tpu.memory_space<semaphore_mem>>)
    %iota3A = tpu.iota {dimensions = array<i32: 0>} : vector<16xi32>
    %shift_right_logical3A = arith.constant 1 : i32
    %shift_right_logical3A_169 = vector.broadcast %shift_right_logical3A : i32 to vector<16xi32>
    %shift_right_logical3A_170 = arith.shrui %iota3A, %shift_right_logical3A_169 : vector<16xi32>
    %and3A_171 = arith.constant 1 : i32
    %and3A_172 = vector.broadcast %and3A_171 : i32 to vector<16xi32>
    %and3A_173 = arith.andi %iota3A, %and3A_172 : vector<16xi32>
    %mul3A_174 = arith.constant 4096 : i32
    %mul3A_175 = arith.muli %select_n3A, %mul3A_174 : i32
    %mul3A_176 = arith.constant 1024 : i32
    %mul3A_177 = arith.muli %select_n3A_70, %mul3A_176 : i32
    %add3A_178 = arith.addi %mul3A_175, %mul3A_177 : i32
    %dma_wait3A = arith.constant 0 : i32
    %dma_wait3A_179 = tpu.memref_slice %arg6[%dma_wait3A] : memref<2048xf32, #tpu.memory_space<vmem>> -> memref<128xf32, #tpu.memory_space<vmem>>
    %dma_wait3A_180 = arith.constant 0 : i32
    %dma_wait3A_181 = tpu.memref_slice %arg3[%dma_wait3A_180] : memref<1048576xf32, #tpu.memory_space<hbm>> -> memref<128xf32, #tpu.memory_space<hbm>>
    %dma_wait3A_182 = arith.constant 0 : i32
    %dma_wait3A_183 = tpu.memref_slice %arg6[%dma_wait3A_182] : memref<2048xf32, #tpu.memory_space<vmem>> -> memref<128xf32, #tpu.memory_space<vmem>>
    %dma_wait3A_184 = arith.constant 0 : i32
    %dma_wait3A_185 = tpu.memref_slice %arg3[%dma_wait3A_184] : memref<1048576xf32, #tpu.memory_space<hbm>> -> memref<128xf32, #tpu.memory_space<hbm>>
    tpu.wait_dma2 semaphore(%arg8 : memref<!tpu.dma_semaphore, #tpu.memory_space<semaphore_mem>>) src(%dma_wait3A_185 : memref<128xf32, #tpu.memory_space<hbm>>) dst(%dma_wait3A_183 : memref<128xf32, #tpu.memory_space<vmem>>)
    %dma_wait3A_186 = arith.constant 128 : i32
    %dma_wait3A_187 = tpu.memref_slice %arg6[%dma_wait3A_186] : memref<2048xf32, #tpu.memory_space<vmem>> -> memref<128xf32, #tpu.memory_space<vmem>>
    %dma_wait3A_188 = arith.constant 0 : i32
    %dma_wait3A_189 = tpu.memref_slice %arg3[%dma_wait3A_188] : memref<1048576xf32, #tpu.memory_space<hbm>> -> memref<128xf32, #tpu.memory_space<hbm>>
    %dma_wait3A_190 = arith.constant 128 : i32
    %dma_wait3A_191 = tpu.memref_slice %arg6[%dma_wait3A_190] : memref<2048xf32, #tpu.memory_space<vmem>> -> memref<128xf32, #tpu.memory_space<vmem>>
    %dma_wait3A_192 = arith.constant 0 : i32
    %dma_wait3A_193 = tpu.memref_slice %arg3[%dma_wait3A_192] : memref<1048576xf32, #tpu.memory_space<hbm>> -> memref<128xf32, #tpu.memory_space<hbm>>
    tpu.wait_dma2 semaphore(%arg8 : memref<!tpu.dma_semaphore, #tpu.memory_space<semaphore_mem>>) src(%dma_wait3A_193 : memref<128xf32, #tpu.memory_space<hbm>>) dst(%dma_wait3A_191 : memref<128xf32, #tpu.memory_space<vmem>>)
    %dma_wait3A_194 = arith.constant 256 : i32
    %dma_wait3A_195 = tpu.memref_slice %arg6[%dma_wait3A_194] : memref<2048xf32, #tpu.memory_space<vmem>> -> memref<128xf32, #tpu.memory_space<vmem>>
    %dma_wait3A_196 = arith.constant 0 : i32
    %dma_wait3A_197 = tpu.memref_slice %arg3[%dma_wait3A_196] : memref<1048576xf32, #tpu.memory_space<hbm>> -> memref<128xf32, #tpu.memory_space<hbm>>
    %dma_wait3A_198 = arith.constant 256 : i32
    %dma_wait3A_199 = tpu.memref_slice %arg6[%dma_wait3A_198] : memref<2048xf32, #tpu.memory_space<vmem>> -> memref<128xf32, #tpu.memory_space<vmem>>
    %dma_wait3A_200 = arith.constant 0 : i32
    %dma_wait3A_201 = tpu.memref_slice %arg3[%dma_wait3A_200] : memref<1048576xf32, #tpu.memory_space<hbm>> -> memref<128xf32, #tpu.memory_space<hbm>>
    tpu.wait_dma2 semaphore(%arg8 : memref<!tpu.dma_semaphore, #tpu.memory_space<semaphore_mem>>) src(%dma_wait3A_201 : memref<128xf32, #tpu.memory_space<hbm>>) dst(%dma_wait3A_199 : memref<128xf32, #tpu.memory_space<vmem>>)
    %dma_wait3A_202 = arith.constant 384 : i32
    %dma_wait3A_203 = tpu.memref_slice %arg6[%dma_wait3A_202] : memref<2048xf32, #tpu.memory_space<vmem>> -> memref<128xf32, #tpu.memory_space<vmem>>
    %dma_wait3A_204 = arith.constant 0 : i32
    %dma_wait3A_205 = tpu.memref_slice %arg3[%dma_wait3A_204] : memref<1048576xf32, #tpu.memory_space<hbm>> -> memref<128xf32, #tpu.memory_space<hbm>>
    %dma_wait3A_206 = arith.constant 384 : i32
    %dma_wait3A_207 = tpu.memref_slice %arg6[%dma_wait3A_206] : memref<2048xf32, #tpu.memory_space<vmem>> -> memref<128xf32, #tpu.memory_space<vmem>>
    %dma_wait3A_208 = arith.constant 0 : i32
    %dma_wait3A_209 = tpu.memref_slice %arg3[%dma_wait3A_208] : memref<1048576xf32, #tpu.memory_space<hbm>> -> memref<128xf32, #tpu.memory_space<hbm>>
    tpu.wait_dma2 semaphore(%arg8 : memref<!tpu.dma_semaphore, #tpu.memory_space<semaphore_mem>>) src(%dma_wait3A_209 : memref<128xf32, #tpu.memory_space<hbm>>) dst(%dma_wait3A_207 : memref<128xf32, #tpu.memory_space<vmem>>)
    %scan3A = arith.constant 0 : i32
    %scan3A_210 = arith.constant 0 : i32
    %scan3A_211 = arith.constant 2 : i32
    %scan3A_212 = arith.addi %scan3A_210, %scan3A_211 : i32
    %scan3A_213 = arith.constant 1 : i32
    scf.for %scan3A_363 = %scan3A_210 to %scan3A_212 step %scan3A_213  : i32 {
      %rem3A_364 = arith.constant 2 : i32
      %rem3A_365 = arith.remsi %scan3A_363, %rem3A_364 : i32
      %broadcast_in_dim3A = vector.broadcast %rem3A_365 : i32 to vector<16xi32>
      %ge3A = arith.constant 2 : i32
      %ge3A_366 = arith.cmpi sge, %scan3A_363, %ge3A : i32
      %convert_element_type3A = arith.extui %ge3A_366 : i1 to i32
      %cond3A = arith.constant 0 : i32
      %cond3A_367 = arith.cmpi ne, %convert_element_type3A, %cond3A : i32
      scf.if %cond3A_367 {
        %mul3A_560 = arith.constant 128 : i32
        %mul3A_561 = arith.muli %scan3A_363, %mul3A_560 : i32
        %add3A_562 = arith.addi %add3A_178, %mul3A_561 : i32
        %dma_wait3A_563 = arith.constant 0 : i32
        %dma_wait3A_564 = arith.constant 0 : i32
        %dma_wait3A_565 = tpu.memref_slice %arg7[%rem3A_365, %dma_wait3A_563, %dma_wait3A_564] : memref<2x128x2xf32, #tpu.memory_space<vmem>> -> memref<1x128x2xf32, #tpu.memory_space<vmem>>
        %dma_wait3A_566 = tpu.memref_squeeze %dma_wait3A_565 : memref<1x128x2xf32, #tpu.memory_space<vmem>> -> memref<128x2xf32, #tpu.memory_space<vmem>>
        %dma_wait3A_567 = arith.constant 0 : i32
        %dma_wait3A_568 = tpu.memref_slice %arg4[%select_n3A_54, %add3A_562, %dma_wait3A_567] : memref<4x8192x2xf32, #tpu.memory_space<hbm>> -> memref<1x128x2xf32, #tpu.memory_space<hbm>>
        %dma_wait3A_569 = tpu.memref_squeeze %dma_wait3A_568 : memref<1x128x2xf32, #tpu.memory_space<hbm>> -> memref<128x2xf32, #tpu.memory_space<hbm>>
        %dma_wait3A_570 = arith.constant 0 : i32
        %dma_wait3A_571 = arith.constant 0 : i32
        %dma_wait3A_572 = tpu.memref_slice %arg7[%rem3A_365, %dma_wait3A_570, %dma_wait3A_571] : memref<2x128x2xf32, #tpu.memory_space<vmem>> -> memref<1x128x2xf32, #tpu.memory_space<vmem>>
        %dma_wait3A_573 = tpu.memref_squeeze %dma_wait3A_572 : memref<1x128x2xf32, #tpu.memory_space<vmem>> -> memref<128x2xf32, #tpu.memory_space<vmem>>
        %dma_wait3A_574 = arith.constant 0 : i32
        %dma_wait3A_575 = tpu.memref_slice %arg4[%select_n3A_54, %add3A_562, %dma_wait3A_574] : memref<4x8192x2xf32, #tpu.memory_space<hbm>> -> memref<1x128x2xf32, #tpu.memory_space<hbm>>
        %dma_wait3A_576 = tpu.memref_squeeze %dma_wait3A_575 : memref<1x128x2xf32, #tpu.memory_space<hbm>> -> memref<128x2xf32, #tpu.memory_space<hbm>>
        tpu.wait_dma2 semaphore(%arg12 : memref<!tpu.dma_semaphore, #tpu.memory_space<semaphore_mem>>) src(%dma_wait3A_576 : memref<128x2xf32, #tpu.memory_space<hbm>>) dst(%dma_wait3A_573 : memref<128x2xf32, #tpu.memory_space<vmem>>)
      } else {
      }
      %mul3A_368 = arith.constant 2 : i32
      %mul3A_369 = arith.muli %scan3A_363, %mul3A_368 : i32
      %mul3A_370 = arith.constant 128 : i32
      %mul3A_371 = arith.muli %mul3A_369, %mul3A_370 : i32
      %add3A_372 = arith.constant 0 : i32
      %add3A_373 = arith.addi %mul3A_371, %add3A_372 : i32
      %get3A = arith.index_cast %add3A_373 : i32 to index
      %get3A_374 = tpu.vector_load %arg6[%get3A] {strides = array<i32>} : memref<2048xf32, #tpu.memory_space<vmem>>, vector<16xf32>,
      %add3A_375 = arith.constant 0 : i32
      %add3A_376 = vector.broadcast %add3A_375 : i32 to vector<16xi32>
      %add3A_377 = arith.addi %shift_right_logical3A_170, %add3A_376 : vector<16xi32>
      tpu.vector_store_idx %arg7[%broadcast_in_dim3A, %add3A_377, %and3A_173], %get3A_374 : memref<2x128x2xf32, #tpu.memory_space<vmem>>[vector<16xi32>, vector<16xi32>, vector<16xi32>], vector<16xf32>,
      %mul3A_378 = arith.constant 2 : i32
      %mul3A_379 = arith.muli %scan3A_363, %mul3A_378 : i32
      %mul3A_380 = arith.constant 128 : i32
      %mul3A_381 = arith.muli %mul3A_379, %mul3A_380 : i32
      %add3A_382 = arith.constant 16 : i32
      %add3A_383 = arith.addi %mul3A_381, %add3A_382 : i32
      %get3A_384 = arith.index_cast %add3A_383 : i32 to index
      %get3A_385 = tpu.vector_load %arg6[%get3A_384] {strides = array<i32>} : memref<2048xf32, #tpu.memory_space<vmem>>, vector<16xf32>,
      %add3A_386 = arith.constant 8 : i32
      %add3A_387 = vector.broadcast %add3A_386 : i32 to vector<16xi32>
      %add3A_388 = arith.addi %shift_right_logical3A_170, %add3A_387 : vector<16xi32>
      tpu.vector_store_idx %arg7[%broadcast_in_dim3A, %add3A_388, %and3A_173], %get3A_385 : memref<2x128x2xf32, #tpu.memory_space<vmem>>[vector<16xi32>, vector<16xi32>, vector<16xi32>], vector<16xf32>,
      %mul3A_389 = arith.constant 2 : i32
      %mul3A_390 = arith.muli %scan3A_363, %mul3A_389 : i32
      %mul3A_391 = arith.constant 128 : i32
      %mul3A_392 = arith.muli %mul3A_390, %mul3A_391 : i32
      %add3A_393 = arith.constant 32 : i32
      %add3A_394 = arith.addi %mul3A_392, %add3A_393 : i32
      %get3A_395 = arith.index_cast %add3A_394 : i32 to index
      %get3A_396 = tpu.vector_load %arg6[%get3A_395] {strides = array<i32>} : memref<2048xf32, #tpu.memory_space<vmem>>, vector<16xf32>,
      %add3A_397 = arith.constant 16 : i32
      %add3A_398 = vector.broadcast %add3A_397 : i32 to vector<16xi32>
      %add3A_399 = arith.addi %shift_right_logical3A_170, %add3A_398 : vector<16xi32>
      tpu.vector_store_idx %arg7[%broadcast_in_dim3A, %add3A_399, %and3A_173], %get3A_396 : memref<2x128x2xf32, #tpu.memory_space<vmem>>[vector<16xi32>, vector<16xi32>, vector<16xi32>], vector<16xf32>,
      %mul3A_400 = arith.constant 2 : i32
      %mul3A_401 = arith.muli %scan3A_363, %mul3A_400 : i32
      %mul3A_402 = arith.constant 128 : i32
      %mul3A_403 = arith.muli %mul3A_401, %mul3A_402 : i32
      %add3A_404 = arith.constant 48 : i32
      %add3A_405 = arith.addi %mul3A_403, %add3A_404 : i32
      %get3A_406 = arith.index_cast %add3A_405 : i32 to index
      %get3A_407 = tpu.vector_load %arg6[%get3A_406] {strides = array<i32>} : memref<2048xf32, #tpu.memory_space<vmem>>, vector<16xf32>,
      %add3A_408 = arith.constant 24 : i32
      %add3A_409 = vector.broadcast %add3A_408 : i32 to vector<16xi32>
      %add3A_410 = arith.addi %shift_right_logical3A_170, %add3A_409 : vector<16xi32>
      tpu.vector_store_idx %arg7[%broadcast_in_dim3A, %add3A_410, %and3A_173], %get3A_407 : memref<2x128x2xf32, #tpu.memory_space<vmem>>[vector<16xi32>, vector<16xi32>, vector<16xi32>], vector<16xf32>,
      %mul3A_411 = arith.constant 2 : i32
      %mul3A_412 = arith.muli %scan3A_363, %mul3A_411 : i32
      %mul3A_413 = arith.constant 128 : i32
      %mul3A_414 = arith.muli %mul3A_412, %mul3A_413 : i32
      %add3A_415 = arith.constant 64 : i32
      %add3A_416 = arith.addi %mul3A_414, %add3A_415 : i32
      %get3A_417 = arith.index_cast %add3A_416 : i32 to index
      %get3A_418 = tpu.vector_load %arg6[%get3A_417] {strides = array<i32>} : memref<2048xf32, #tpu.memory_space<vmem>>, vector<16xf32>,
      %add3A_419 = arith.constant 32 : i32
      %add3A_420 = vector.broadcast %add3A_419 : i32 to vector<16xi32>
      %add3A_421 = arith.addi %shift_right_logical3A_170, %add3A_420 : vector<16xi32>
      tpu.vector_store_idx %arg7[%broadcast_in_dim3A, %add3A_421, %and3A_173], %get3A_418 : memref<2x128x2xf32, #tpu.memory_space<vmem>>[vector<16xi32>, vector<16xi32>, vector<16xi32>], vector<16xf32>,
      %mul3A_422 = arith.constant 2 : i32
      %mul3A_423 = arith.muli %scan3A_363, %mul3A_422 : i32
      %mul3A_424 = arith.constant 128 : i32
      %mul3A_425 = arith.muli %mul3A_423, %mul3A_424 : i32
      %add3A_426 = arith.constant 80 : i32
      %add3A_427 = arith.addi %mul3A_425, %add3A_426 : i32
      %get3A_428 = arith.index_cast %add3A_427 : i32 to index
      %get3A_429 = tpu.vector_load %arg6[%get3A_428] {strides = array<i32>} : memref<2048xf32, #tpu.memory_space<vmem>>, vector<16xf32>,
      %add3A_430 = arith.constant 40 : i32
      %add3A_431 = vector.broadcast %add3A_430 : i32 to vector<16xi32>
      %add3A_432 = arith.addi %shift_right_logical3A_170, %add3A_431 : vector<16xi32>
      tpu.vector_store_idx %arg7[%broadcast_in_dim3A, %add3A_432, %and3A_173], %get3A_429 : memref<2x128x2xf32, #tpu.memory_space<vmem>>[vector<16xi32>, vector<16xi32>, vector<16xi32>], vector<16xf32>,
      %mul3A_433 = arith.constant 2 : i32
      %mul3A_434 = arith.muli %scan3A_363, %mul3A_433 : i32
      %mul3A_435 = arith.constant 128 : i32
      %mul3A_436 = arith.muli %mul3A_434, %mul3A_435 : i32
      %add3A_437 = arith.constant 96 : i32
      %add3A_438 = arith.addi %mul3A_436, %add3A_437 : i32
      %get3A_439 = arith.index_cast %add3A_438 : i32 to index
      %get3A_440 = tpu.vector_load %arg6[%get3A_439] {strides = array<i32>} : memref<2048xf32, #tpu.memory_space<vmem>>, vector<16xf32>,
      %add3A_441 = arith.constant 48 : i32
      %add3A_442 = vector.broadcast %add3A_441 : i32 to vector<16xi32>
      %add3A_443 = arith.addi %shift_right_logical3A_170, %add3A_442 : vector<16xi32>
      tpu.vector_store_idx %arg7[%broadcast_in_dim3A, %add3A_443, %and3A_173], %get3A_440 : memref<2x128x2xf32, #tpu.memory_space<vmem>>[vector<16xi32>, vector<16xi32>, vector<16xi32>], vector<16xf32>,
      %mul3A_444 = arith.constant 2 : i32
      %mul3A_445 = arith.muli %scan3A_363, %mul3A_444 : i32
      %mul3A_446 = arith.constant 128 : i32
      %mul3A_447 = arith.muli %mul3A_445, %mul3A_446 : i32
      %add3A_448 = arith.constant 112 : i32
      %add3A_449 = arith.addi %mul3A_447, %add3A_448 : i32
      %get3A_450 = arith.index_cast %add3A_449 : i32 to index
      %get3A_451 = tpu.vector_load %arg6[%get3A_450] {strides = array<i32>} : memref<2048xf32, #tpu.memory_space<vmem>>, vector<16xf32>,
      %add3A_452 = arith.constant 56 : i32
      %add3A_453 = vector.broadcast %add3A_452 : i32 to vector<16xi32>
      %add3A_454 = arith.addi %shift_right_logical3A_170, %add3A_453 : vector<16xi32>
      tpu.vector_store_idx %arg7[%broadcast_in_dim3A, %add3A_454, %and3A_173], %get3A_451 : memref<2x128x2xf32, #tpu.memory_space<vmem>>[vector<16xi32>, vector<16xi32>, vector<16xi32>], vector<16xf32>,
      %mul3A_455 = arith.constant 2 : i32
      %mul3A_456 = arith.muli %scan3A_363, %mul3A_455 : i32
      %mul3A_457 = arith.constant 128 : i32
      %mul3A_458 = arith.muli %mul3A_456, %mul3A_457 : i32
      %add3A_459 = arith.constant 128 : i32
      %add3A_460 = arith.addi %mul3A_458, %add3A_459 : i32
      %get3A_461 = arith.index_cast %add3A_460 : i32 to index
      %get3A_462 = tpu.vector_load %arg6[%get3A_461] {strides = array<i32>} : memref<2048xf32, #tpu.memory_space<vmem>>, vector<16xf32>,
      %add3A_463 = arith.constant 64 : i32
      %add3A_464 = vector.broadcast %add3A_463 : i32 to vector<16xi32>
      %add3A_465 = arith.addi %shift_right_logical3A_170, %add3A_464 : vector<16xi32>
      tpu.vector_store_idx %arg7[%broadcast_in_dim3A, %add3A_465, %and3A_173], %get3A_462 : memref<2x128x2xf32, #tpu.memory_space<vmem>>[vector<16xi32>, vector<16xi32>, vector<16xi32>], vector<16xf32>,
      %mul3A_466 = arith.constant 2 : i32
      %mul3A_467 = arith.muli %scan3A_363, %mul3A_466 : i32
      %mul3A_468 = arith.constant 128 : i32
      %mul3A_469 = arith.muli %mul3A_467, %mul3A_468 : i32
      %add3A_470 = arith.constant 144 : i32
      %add3A_471 = arith.addi %mul3A_469, %add3A_470 : i32
      %get3A_472 = arith.index_cast %add3A_471 : i32 to index
      %get3A_473 = tpu.vector_load %arg6[%get3A_472] {strides = array<i32>} : memref<2048xf32, #tpu.memory_space<vmem>>, vector<16xf32>,
      %add3A_474 = arith.constant 72 : i32
      %add3A_475 = vector.broadcast %add3A_474 : i32 to vector<16xi32>
      %add3A_476 = arith.addi %shift_right_logical3A_170, %add3A_475 : vector<16xi32>
      tpu.vector_store_idx %arg7[%broadcast_in_dim3A, %add3A_476, %and3A_173], %get3A_473 : memref<2x128x2xf32, #tpu.memory_space<vmem>>[vector<16xi32>, vector<16xi32>, vector<16xi32>], vector<16xf32>,
      %mul3A_477 = arith.constant 2 : i32
      %mul3A_478 = arith.muli %scan3A_363, %mul3A_477 : i32
      %mul3A_479 = arith.constant 128 : i32
      %mul3A_480 = arith.muli %mul3A_478, %mul3A_479 : i32
      %add3A_481 = arith.constant 160 : i32
      %add3A_482 = arith.addi %mul3A_480, %add3A_481 : i32
      %get3A_483 = arith.index_cast %add3A_482 : i32 to index
      %get3A_484 = tpu.vector_load %arg6[%get3A_483] {strides = array<i32>} : memref<2048xf32, #tpu.memory_space<vmem>>, vector<16xf32>,
      %add3A_485 = arith.constant 80 : i32
      %add3A_486 = vector.broadcast %add3A_485 : i32 to vector<16xi32>
      %add3A_487 = arith.addi %shift_right_logical3A_170, %add3A_486 : vector<16xi32>
      tpu.vector_store_idx %arg7[%broadcast_in_dim3A, %add3A_487, %and3A_173], %get3A_484 : memref<2x128x2xf32, #tpu.memory_space<vmem>>[vector<16xi32>, vector<16xi32>, vector<16xi32>], vector<16xf32>,
      %mul3A_488 = arith.constant 2 : i32
      %mul3A_489 = arith.muli %scan3A_363, %mul3A_488 : i32
      %mul3A_490 = arith.constant 128 : i32
      %mul3A_491 = arith.muli %mul3A_489, %mul3A_490 : i32
      %add3A_492 = arith.constant 176 : i32
      %add3A_493 = arith.addi %mul3A_491, %add3A_492 : i32
      %get3A_494 = arith.index_cast %add3A_493 : i32 to index
      %get3A_495 = tpu.vector_load %arg6[%get3A_494] {strides = array<i32>} : memref<2048xf32, #tpu.memory_space<vmem>>, vector<16xf32>,
      %add3A_496 = arith.constant 88 : i32
      %add3A_497 = vector.broadcast %add3A_496 : i32 to vector<16xi32>
      %add3A_498 = arith.addi %shift_right_logical3A_170, %add3A_497 : vector<16xi32>
      tpu.vector_store_idx %arg7[%broadcast_in_dim3A, %add3A_498, %and3A_173], %get3A_495 : memref<2x128x2xf32, #tpu.memory_space<vmem>>[vector<16xi32>, vector<16xi32>, vector<16xi32>], vector<16xf32>,
      %mul3A_499 = arith.constant 2 : i32
      %mul3A_500 = arith.muli %scan3A_363, %mul3A_499 : i32
      %mul3A_501 = arith.constant 128 : i32
      %mul3A_502 = arith.muli %mul3A_500, %mul3A_501 : i32
      %add3A_503 = arith.constant 192 : i32
      %add3A_504 = arith.addi %mul3A_502, %add3A_503 : i32
      %get3A_505 = arith.index_cast %add3A_504 : i32 to index
      %get3A_506 = tpu.vector_load %arg6[%get3A_505] {strides = array<i32>} : memref<2048xf32, #tpu.memory_space<vmem>>, vector<16xf32>,
      %add3A_507 = arith.constant 96 : i32
      %add3A_508 = vector.broadcast %add3A_507 : i32 to vector<16xi32>
      %add3A_509 = arith.addi %shift_right_logical3A_170, %add3A_508 : vector<16xi32>
      tpu.vector_store_idx %arg7[%broadcast_in_dim3A, %add3A_509, %and3A_173], %get3A_506 : memref<2x128x2xf32, #tpu.memory_space<vmem>>[vector<16xi32>, vector<16xi32>, vector<16xi32>], vector<16xf32>,
      %mul3A_510 = arith.constant 2 : i32
      %mul3A_511 = arith.muli %scan3A_363, %mul3A_510 : i32
      %mul3A_512 = arith.constant 128 : i32
      %mul3A_513 = arith.muli %mul3A_511, %mul3A_512 : i32
      %add3A_514 = arith.constant 208 : i32
      %add3A_515 = arith.addi %mul3A_513, %add3A_514 : i32
      %get3A_516 = arith.index_cast %add3A_515 : i32 to index
      %get3A_517 = tpu.vector_load %arg6[%get3A_516] {strides = array<i32>} : memref<2048xf32, #tpu.memory_space<vmem>>, vector<16xf32>,
      %add3A_518 = arith.constant 104 : i32
      %add3A_519 = vector.broadcast %add3A_518 : i32 to vector<16xi32>
      %add3A_520 = arith.addi %shift_right_logical3A_170, %add3A_519 : vector<16xi32>
      tpu.vector_store_idx %arg7[%broadcast_in_dim3A, %add3A_520, %and3A_173], %get3A_517 : memref<2x128x2xf32, #tpu.memory_space<vmem>>[vector<16xi32>, vector<16xi32>, vector<16xi32>], vector<16xf32>,
      %mul3A_521 = arith.constant 2 : i32
      %mul3A_522 = arith.muli %scan3A_363, %mul3A_521 : i32
      %mul3A_523 = arith.constant 128 : i32
      %mul3A_524 = arith.muli %mul3A_522, %mul3A_523 : i32
      %add3A_525 = arith.constant 224 : i32
      %add3A_526 = arith.addi %mul3A_524, %add3A_525 : i32
      %get3A_527 = arith.index_cast %add3A_526 : i32 to index
      %get3A_528 = tpu.vector_load %arg6[%get3A_527] {strides = array<i32>} : memref<2048xf32, #tpu.memory_space<vmem>>, vector<16xf32>,
      %add3A_529 = arith.constant 112 : i32
      %add3A_530 = vector.broadcast %add3A_529 : i32 to vector<16xi32>
      %add3A_531 = arith.addi %shift_right_logical3A_170, %add3A_530 : vector<16xi32>
      tpu.vector_store_idx %arg7[%broadcast_in_dim3A, %add3A_531, %and3A_173], %get3A_528 : memref<2x128x2xf32, #tpu.memory_space<vmem>>[vector<16xi32>, vector<16xi32>, vector<16xi32>], vector<16xf32>,
      %mul3A_532 = arith.constant 2 : i32
      %mul3A_533 = arith.muli %scan3A_363, %mul3A_532 : i32
      %mul3A_534 = arith.constant 128 : i32
      %mul3A_535 = arith.muli %mul3A_533, %mul3A_534 : i32
      %add3A_536 = arith.constant 240 : i32
      %add3A_537 = arith.addi %mul3A_535, %add3A_536 : i32
      %get3A_538 = arith.index_cast %add3A_537 : i32 to index
      %get3A_539 = tpu.vector_load %arg6[%get3A_538] {strides = array<i32>} : memref<2048xf32, #tpu.memory_space<vmem>>, vector<16xf32>,
      %add3A_540 = arith.constant 120 : i32
      %add3A_541 = vector.broadcast %add3A_540 : i32 to vector<16xi32>
      %add3A_542 = arith.addi %shift_right_logical3A_170, %add3A_541 : vector<16xi32>
      tpu.vector_store_idx %arg7[%broadcast_in_dim3A, %add3A_542, %and3A_173], %get3A_539 : memref<2x128x2xf32, #tpu.memory_space<vmem>>[vector<16xi32>, vector<16xi32>, vector<16xi32>], vector<16xf32>,
      %mul3A_543 = arith.constant 128 : i32
      %mul3A_544 = arith.muli %scan3A_363, %mul3A_543 : i32
      %add3A_545 = arith.addi %add3A_178, %mul3A_544 : i32
      %dma_start3A_546 = arith.constant 0 : i32
      %dma_start3A_547 = arith.constant 0 : i32
      %dma_start3A_548 = tpu.memref_slice %arg7[%rem3A_365, %dma_start3A_546, %dma_start3A_547] : memref<2x128x2xf32, #tpu.memory_space<vmem>> -> memref<1x128x2xf32, #tpu.memory_space<vmem>>
      %dma_start3A_549 = tpu.memref_squeeze %dma_start3A_548 : memref<1x128x2xf32, #tpu.memory_space<vmem>> -> memref<128x2xf32, #tpu.memory_space<vmem>>
      %dma_start3A_550 = arith.constant 0 : i32
      %dma_start3A_551 = tpu.memref_slice %arg4[%select_n3A_54, %add3A_545, %dma_start3A_550] : memref<4x8192x2xf32, #tpu.memory_space<hbm>> -> memref<1x128x2xf32, #tpu.memory_space<hbm>>
      %dma_start3A_552 = tpu.memref_squeeze %dma_start3A_551 : memref<1x128x2xf32, #tpu.memory_space<hbm>> -> memref<128x2xf32, #tpu.memory_space<hbm>>
      %dma_start3A_553 = arith.constant 0 : i32
      %dma_start3A_554 = tpu.memref_slice %arg4[%select_n3A_54, %add3A_545, %dma_start3A_553] : memref<4x8192x2xf32, #tpu.memory_space<hbm>> -> memref<1x128x2xf32, #tpu.memory_space<hbm>>
      %dma_start3A_555 = tpu.memref_squeeze %dma_start3A_554 : memref<1x128x2xf32, #tpu.memory_space<hbm>> -> memref<128x2xf32, #tpu.memory_space<hbm>>
      %dma_start3A_556 = arith.constant 0 : i32
      %dma_start3A_557 = arith.constant 0 : i32
      %dma_start3A_558 = tpu.memref_slice %arg7[%rem3A_365, %dma_start3A_556, %dma_start3A_557] : memref<2x128x2xf32, #tpu.memory_space<vmem>> -> memref<1x128x2xf32, #tpu.memory_space<vmem>>
      %dma_start3A_559 = tpu.memref_squeeze %dma_start3A_558 : memref<1x128x2xf32, #tpu.memory_space<vmem>> -> memref<128x2xf32, #tpu.memory_space<vmem>>
      tpu.enqueue_dma source(%dma_start3A_559 : memref<128x2xf32, #tpu.memory_space<vmem>>) target(%dma_start3A_555 : memref<128x2xf32, #tpu.memory_space<hbm>>) target_semaphore(%arg12 : memref<!tpu.dma_semaphore, #tpu.memory_space<semaphore_mem>>)
    }
    %scan3A_214 = arith.constant 2 : i32
    %dma_wait3A_215 = arith.constant 0 : i32
    %dma_wait3A_216 = tpu.memref_slice %arg6[%dma_wait3A_215] : memref<2048xf32, #tpu.memory_space<vmem>> -> memref<128xf32, #tpu.memory_space<vmem>>
    %dma_wait3A_217 = arith.constant 0 : i32
    %dma_wait3A_218 = tpu.memref_slice %arg3[%dma_wait3A_217] : memref<1048576xf32, #tpu.memory_space<hbm>> -> memref<128xf32, #tpu.memory_space<hbm>>
    %dma_wait3A_219 = arith.constant 0 : i32
    %dma_wait3A_220 = tpu.memref_slice %arg6[%dma_wait3A_219] : memref<2048xf32, #tpu.memory_space<vmem>> -> memref<128xf32, #tpu.memory_space<vmem>>
    %dma_wait3A_221 = arith.constant 0 : i32
    %dma_wait3A_222 = tpu.memref_slice %arg3[%dma_wait3A_221] : memref<1048576xf32, #tpu.memory_space<hbm>> -> memref<128xf32, #tpu.memory_space<hbm>>
    tpu.wait_dma2 semaphore(%arg9 : memref<!tpu.dma_semaphore, #tpu.memory_space<semaphore_mem>>) src(%dma_wait3A_222 : memref<128xf32, #tpu.memory_space<hbm>>) dst(%dma_wait3A_220 : memref<128xf32, #tpu.memory_space<vmem>>)
    %dma_wait3A_223 = arith.constant 128 : i32
    %dma_wait3A_224 = tpu.memref_slice %arg6[%dma_wait3A_223] : memref<2048xf32, #tpu.memory_space<vmem>> -> memref<128xf32, #tpu.memory_space<vmem>>
    %dma_wait3A_225 = arith.constant 0 : i32
    %dma_wait3A_226 = tpu.memref_slice %arg3[%dma_wait3A_225] : memref<1048576xf32, #tpu.memory_space<hbm>> -> memref<128xf32, #tpu.memory_space<hbm>>
    %dma_wait3A_227 = arith.constant 128 : i32
    %dma_wait3A_228 = tpu.memref_slice %arg6[%dma_wait3A_227] : memref<2048xf32, #tpu.memory_space<vmem>> -> memref<128xf32, #tpu.memory_space<vmem>>
    %dma_wait3A_229 = arith.constant 0 : i32
    %dma_wait3A_230 = tpu.memref_slice %arg3[%dma_wait3A_229] : memref<1048576xf32, #tpu.memory_space<hbm>> -> memref<128xf32, #tpu.memory_space<hbm>>
    tpu.wait_dma2 semaphore(%arg9 : memref<!tpu.dma_semaphore, #tpu.memory_space<semaphore_mem>>) src(%dma_wait3A_230 : memref<128xf32, #tpu.memory_space<hbm>>) dst(%dma_wait3A_228 : memref<128xf32, #tpu.memory_space<vmem>>)
    %dma_wait3A_231 = arith.constant 256 : i32
    %dma_wait3A_232 = tpu.memref_slice %arg6[%dma_wait3A_231] : memref<2048xf32, #tpu.memory_space<vmem>> -> memref<128xf32, #tpu.memory_space<vmem>>
    %dma_wait3A_233 = arith.constant 0 : i32
    %dma_wait3A_234 = tpu.memref_slice %arg3[%dma_wait3A_233] : memref<1048576xf32, #tpu.memory_space<hbm>> -> memref<128xf32, #tpu.memory_space<hbm>>
    %dma_wait3A_235 = arith.constant 256 : i32
    %dma_wait3A_236 = tpu.memref_slice %arg6[%dma_wait3A_235] : memref<2048xf32, #tpu.memory_space<vmem>> -> memref<128xf32, #tpu.memory_space<vmem>>
    %dma_wait3A_237 = arith.constant 0 : i32
    %dma_wait3A_238 = tpu.memref_slice %arg3[%dma_wait3A_237] : memref<1048576xf32, #tpu.memory_space<hbm>> -> memref<128xf32, #tpu.memory_space<hbm>>
    tpu.wait_dma2 semaphore(%arg9 : memref<!tpu.dma_semaphore, #tpu.memory_space<semaphore_mem>>) src(%dma_wait3A_238 : memref<128xf32, #tpu.memory_space<hbm>>) dst(%dma_wait3A_236 : memref<128xf32, #tpu.memory_space<vmem>>)
    %dma_wait3A_239 = arith.constant 384 : i32
    %dma_wait3A_240 = tpu.memref_slice %arg6[%dma_wait3A_239] : memref<2048xf32, #tpu.memory_space<vmem>> -> memref<128xf32, #tpu.memory_space<vmem>>
    %dma_wait3A_241 = arith.constant 0 : i32
    %dma_wait3A_242 = tpu.memref_slice %arg3[%dma_wait3A_241] : memref<1048576xf32, #tpu.memory_space<hbm>> -> memref<128xf32, #tpu.memory_space<hbm>>
    %dma_wait3A_243 = arith.constant 384 : i32
    %dma_wait3A_244 = tpu.memref_slice %arg6[%dma_wait3A_243] : memref<2048xf32, #tpu.memory_space<vmem>> -> memref<128xf32, #tpu.memory_space<vmem>>
    %dma_wait3A_245 = arith.constant 0 : i32
    %dma_wait3A_246 = tpu.memref_slice %arg3[%dma_wait3A_245] : memref<1048576xf32, #tpu.memory_space<hbm>> -> memref<128xf32, #tpu.memory_space<hbm>>
    tpu.wait_dma2 semaphore(%arg9 : memref<!tpu.dma_semaphore, #tpu.memory_space<semaphore_mem>>) src(%dma_wait3A_246 : memref<128xf32, #tpu.memory_space<hbm>>) dst(%dma_wait3A_244 : memref<128xf32, #tpu.memory_space<vmem>>)
    %scan3A_247 = arith.constant 0 : i32
    %scan3A_248 = arith.constant 2 : i32
    %scan3A_249 = arith.constant 2 : i32
    %scan3A_250 = arith.addi %scan3A_248, %scan3A_249 : i32
    %scan3A_251 = arith.constant 1 : i32
    scf.for %scan3A_363 = %scan3A_248 to %scan3A_250 step %scan3A_251  : i32 {
      %rem3A_364 = arith.constant 2 : i32
      %rem3A_365 = arith.remsi %scan3A_363, %rem3A_364 : i32
      %broadcast_in_dim3A = vector.broadcast %rem3A_365 : i32 to vector<16xi32>
      %ge3A = arith.constant 2 : i32
      %ge3A_366 = arith.cmpi sge, %scan3A_363, %ge3A : i32
      %convert_element_type3A = arith.extui %ge3A_366 : i1 to i32
      %cond3A = arith.constant 0 : i32
      %cond3A_367 = arith.cmpi ne, %convert_element_type3A, %cond3A : i32
      scf.if %cond3A_367 {
        %mul3A_560 = arith.constant 128 : i32
        %mul3A_561 = arith.muli %scan3A_363, %mul3A_560 : i32
        %add3A_562 = arith.addi %add3A_178, %mul3A_561 : i32
        %dma_wait3A_563 = arith.constant 0 : i32
        %dma_wait3A_564 = arith.constant 0 : i32
        %dma_wait3A_565 = tpu.memref_slice %arg7[%rem3A_365, %dma_wait3A_563, %dma_wait3A_564] : memref<2x128x2xf32, #tpu.memory_space<vmem>> -> memref<1x128x2xf32, #tpu.memory_space<vmem>>
        %dma_wait3A_566 = tpu.memref_squeeze %dma_wait3A_565 : memref<1x128x2xf32, #tpu.memory_space<vmem>> -> memref<128x2xf32, #tpu.memory_space<vmem>>
        %dma_wait3A_567 = arith.constant 0 : i32
        %dma_wait3A_568 = tpu.memref_slice %arg4[%select_n3A_54, %add3A_562, %dma_wait3A_567] : memref<4x8192x2xf32, #tpu.memory_space<hbm>> -> memref<1x128x2xf32, #tpu.memory_space<hbm>>
        %dma_wait3A_569 = tpu.memref_squeeze %dma_wait3A_568 : memref<1x128x2xf32, #tpu.memory_space<hbm>> -> memref<128x2xf32, #tpu.memory_space<hbm>>
        %dma_wait3A_570 = arith.constant 0 : i32
        %dma_wait3A_571 = arith.constant 0 : i32
        %dma_wait3A_572 = tpu.memref_slice %arg7[%rem3A_365, %dma_wait3A_570, %dma_wait3A_571] : memref<2x128x2xf32, #tpu.memory_space<vmem>> -> memref<1x128x2xf32, #tpu.memory_space<vmem>>
        %dma_wait3A_573 = tpu.memref_squeeze %dma_wait3A_572 : memref<1x128x2xf32, #tpu.memory_space<vmem>> -> memref<128x2xf32, #tpu.memory_space<vmem>>
        %dma_wait3A_574 = arith.constant 0 : i32
        %dma_wait3A_575 = tpu.memref_slice %arg4[%select_n3A_54, %add3A_562, %dma_wait3A_574] : memref<4x8192x2xf32, #tpu.memory_space<hbm>> -> memref<1x128x2xf32, #tpu.memory_space<hbm>>
        %dma_wait3A_576 = tpu.memref_squeeze %dma_wait3A_575 : memref<1x128x2xf32, #tpu.memory_space<hbm>> -> memref<128x2xf32, #tpu.memory_space<hbm>>
        tpu.wait_dma2 semaphore(%arg12 : memref<!tpu.dma_semaphore, #tpu.memory_space<semaphore_mem>>) src(%dma_wait3A_576 : memref<128x2xf32, #tpu.memory_space<hbm>>) dst(%dma_wait3A_573 : memref<128x2xf32, #tpu.memory_space<vmem>>)
      } else {
      }
      %mul3A_368 = arith.constant 2 : i32
      %mul3A_369 = arith.muli %scan3A_363, %mul3A_368 : i32
      %mul3A_370 = arith.constant 128 : i32
      %mul3A_371 = arith.muli %mul3A_369, %mul3A_370 : i32
      %add3A_372 = arith.constant 0 : i32
      %add3A_373 = arith.addi %mul3A_371, %add3A_372 : i32
      %get3A = arith.index_cast %add3A_373 : i32 to index
      %get3A_374 = tpu.vector_load %arg6[%get3A] {strides = array<i32>} : memref<2048xf32, #tpu.memory_space<vmem>>, vector<16xf32>,
      %add3A_375 = arith.constant 0 : i32
      %add3A_376 = vector.broadcast %add3A_375 : i32 to vector<16xi32>
      %add3A_377 = arith.addi %shift_right_logical3A_170, %add3A_376 : vector<16xi32>
      tpu.vector_store_idx %arg7[%broadcast_in_dim3A, %add3A_377, %and3A_173], %get3A_374 : memref<2x128x2xf32, #tpu.memory_space<vmem>>[vector<16xi32>, vector<16xi32>, vector<16xi32>], vector<16xf32>,
      %mul3A_378 = arith.constant 2 : i32
      %mul3A_379 = arith.muli %scan3A_363, %mul3A_378 : i32
      %mul3A_380 = arith.constant 128 : i32
      %mul3A_381 = arith.muli %mul3A_379, %mul3A_380 : i32
      %add3A_382 = arith.constant 16 : i32
      %add3A_383 = arith.addi %mul3A_381, %add3A_382 : i32
      %get3A_384 = arith.index_cast %add3A_383 : i32 to index
      %get3A_385 = tpu.vector_load %arg6[%get3A_384] {strides = array<i32>} : memref<2048xf32, #tpu.memory_space<vmem>>, vector<16xf32>,
      %add3A_386 = arith.constant 8 : i32
      %add3A_387 = vector.broadcast %add3A_386 : i32 to vector<16xi32>
      %add3A_388 = arith.addi %shift_right_logical3A_170, %add3A_387 : vector<16xi32>
      tpu.vector_store_idx %arg7[%broadcast_in_dim3A, %add3A_388, %and3A_173], %get3A_385 : memref<2x128x2xf32, #tpu.memory_space<vmem>>[vector<16xi32>, vector<16xi32>, vector<16xi32>], vector<16xf32>,
      %mul3A_389 = arith.constant 2 : i32
      %mul3A_390 = arith.muli %scan3A_363, %mul3A_389 : i32
      %mul3A_391 = arith.constant 128 : i32
      %mul3A_392 = arith.muli %mul3A_390, %mul3A_391 : i32
      %add3A_393 = arith.constant 32 : i32
      %add3A_394 = arith.addi %mul3A_392, %add3A_393 : i32
      %get3A_395 = arith.index_cast %add3A_394 : i32 to index
      %get3A_396 = tpu.vector_load %arg6[%get3A_395] {strides = array<i32>} : memref<2048xf32, #tpu.memory_space<vmem>>, vector<16xf32>,
      %add3A_397 = arith.constant 16 : i32
      %add3A_398 = vector.broadcast %add3A_397 : i32 to vector<16xi32>
      %add3A_399 = arith.addi %shift_right_logical3A_170, %add3A_398 : vector<16xi32>
      tpu.vector_store_idx %arg7[%broadcast_in_dim3A, %add3A_399, %and3A_173], %get3A_396 : memref<2x128x2xf32, #tpu.memory_space<vmem>>[vector<16xi32>, vector<16xi32>, vector<16xi32>], vector<16xf32>,
      %mul3A_400 = arith.constant 2 : i32
      %mul3A_401 = arith.muli %scan3A_363, %mul3A_400 : i32
      %mul3A_402 = arith.constant 128 : i32
      %mul3A_403 = arith.muli %mul3A_401, %mul3A_402 : i32
      %add3A_404 = arith.constant 48 : i32
      %add3A_405 = arith.addi %mul3A_403, %add3A_404 : i32
      %get3A_406 = arith.index_cast %add3A_405 : i32 to index
      %get3A_407 = tpu.vector_load %arg6[%get3A_406] {strides = array<i32>} : memref<2048xf32, #tpu.memory_space<vmem>>, vector<16xf32>,
      %add3A_408 = arith.constant 24 : i32
      %add3A_409 = vector.broadcast %add3A_408 : i32 to vector<16xi32>
      %add3A_410 = arith.addi %shift_right_logical3A_170, %add3A_409 : vector<16xi32>
      tpu.vector_store_idx %arg7[%broadcast_in_dim3A, %add3A_410, %and3A_173], %get3A_407 : memref<2x128x2xf32, #tpu.memory_space<vmem>>[vector<16xi32>, vector<16xi32>, vector<16xi32>], vector<16xf32>,
      %mul3A_411 = arith.constant 2 : i32
      %mul3A_412 = arith.muli %scan3A_363, %mul3A_411 : i32
      %mul3A_413 = arith.constant 128 : i32
      %mul3A_414 = arith.muli %mul3A_412, %mul3A_413 : i32
      %add3A_415 = arith.constant 64 : i32
      %add3A_416 = arith.addi %mul3A_414, %add3A_415 : i32
      %get3A_417 = arith.index_cast %add3A_416 : i32 to index
      %get3A_418 = tpu.vector_load %arg6[%get3A_417] {strides = array<i32>} : memref<2048xf32, #tpu.memory_space<vmem>>, vector<16xf32>,
      %add3A_419 = arith.constant 32 : i32
      %add3A_420 = vector.broadcast %add3A_419 : i32 to vector<16xi32>
      %add3A_421 = arith.addi %shift_right_logical3A_170, %add3A_420 : vector<16xi32>
      tpu.vector_store_idx %arg7[%broadcast_in_dim3A, %add3A_421, %and3A_173], %get3A_418 : memref<2x128x2xf32, #tpu.memory_space<vmem>>[vector<16xi32>, vector<16xi32>, vector<16xi32>], vector<16xf32>,
      %mul3A_422 = arith.constant 2 : i32
      %mul3A_423 = arith.muli %scan3A_363, %mul3A_422 : i32
      %mul3A_424 = arith.constant 128 : i32
      %mul3A_425 = arith.muli %mul3A_423, %mul3A_424 : i32
      %add3A_426 = arith.constant 80 : i32
      %add3A_427 = arith.addi %mul3A_425, %add3A_426 : i32
      %get3A_428 = arith.index_cast %add3A_427 : i32 to index
      %get3A_429 = tpu.vector_load %arg6[%get3A_428] {strides = array<i32>} : memref<2048xf32, #tpu.memory_space<vmem>>, vector<16xf32>,
      %add3A_430 = arith.constant 40 : i32
      %add3A_431 = vector.broadcast %add3A_430 : i32 to vector<16xi32>
      %add3A_432 = arith.addi %shift_right_logical3A_170, %add3A_431 : vector<16xi32>
      tpu.vector_store_idx %arg7[%broadcast_in_dim3A, %add3A_432, %and3A_173], %get3A_429 : memref<2x128x2xf32, #tpu.memory_space<vmem>>[vector<16xi32>, vector<16xi32>, vector<16xi32>], vector<16xf32>,
      %mul3A_433 = arith.constant 2 : i32
      %mul3A_434 = arith.muli %scan3A_363, %mul3A_433 : i32
      %mul3A_435 = arith.constant 128 : i32
      %mul3A_436 = arith.muli %mul3A_434, %mul3A_435 : i32
      %add3A_437 = arith.constant 96 : i32
      %add3A_438 = arith.addi %mul3A_436, %add3A_437 : i32
      %get3A_439 = arith.index_cast %add3A_438 : i32 to index
      %get3A_440 = tpu.vector_load %arg6[%get3A_439] {strides = array<i32>} : memref<2048xf32, #tpu.memory_space<vmem>>, vector<16xf32>,
      %add3A_441 = arith.constant 48 : i32
      %add3A_442 = vector.broadcast %add3A_441 : i32 to vector<16xi32>
      %add3A_443 = arith.addi %shift_right_logical3A_170, %add3A_442 : vector<16xi32>
      tpu.vector_store_idx %arg7[%broadcast_in_dim3A, %add3A_443, %and3A_173], %get3A_440 : memref<2x128x2xf32, #tpu.memory_space<vmem>>[vector<16xi32>, vector<16xi32>, vector<16xi32>], vector<16xf32>,
      %mul3A_444 = arith.constant 2 : i32
      %mul3A_445 = arith.muli %scan3A_363, %mul3A_444 : i32
      %mul3A_446 = arith.constant 128 : i32
      %mul3A_447 = arith.muli %mul3A_445, %mul3A_446 : i32
      %add3A_448 = arith.constant 112 : i32
      %add3A_449 = arith.addi %mul3A_447, %add3A_448 : i32
      %get3A_450 = arith.index_cast %add3A_449 : i32 to index
      %get3A_451 = tpu.vector_load %arg6[%get3A_450] {strides = array<i32>} : memref<2048xf32, #tpu.memory_space<vmem>>, vector<16xf32>,
      %add3A_452 = arith.constant 56 : i32
      %add3A_453 = vector.broadcast %add3A_452 : i32 to vector<16xi32>
      %add3A_454 = arith.addi %shift_right_logical3A_170, %add3A_453 : vector<16xi32>
      tpu.vector_store_idx %arg7[%broadcast_in_dim3A, %add3A_454, %and3A_173], %get3A_451 : memref<2x128x2xf32, #tpu.memory_space<vmem>>[vector<16xi32>, vector<16xi32>, vector<16xi32>], vector<16xf32>,
      %mul3A_455 = arith.constant 2 : i32
      %mul3A_456 = arith.muli %scan3A_363, %mul3A_455 : i32
      %mul3A_457 = arith.constant 128 : i32
      %mul3A_458 = arith.muli %mul3A_456, %mul3A_457 : i32
      %add3A_459 = arith.constant 128 : i32
      %add3A_460 = arith.addi %mul3A_458, %add3A_459 : i32
      %get3A_461 = arith.index_cast %add3A_460 : i32 to index
      %get3A_462 = tpu.vector_load %arg6[%get3A_461] {strides = array<i32>} : memref<2048xf32, #tpu.memory_space<vmem>>, vector<16xf32>,
      %add3A_463 = arith.constant 64 : i32
      %add3A_464 = vector.broadcast %add3A_463 : i32 to vector<16xi32>
      %add3A_465 = arith.addi %shift_right_logical3A_170, %add3A_464 : vector<16xi32>
      tpu.vector_store_idx %arg7[%broadcast_in_dim3A, %add3A_465, %and3A_173], %get3A_462 : memref<2x128x2xf32, #tpu.memory_space<vmem>>[vector<16xi32>, vector<16xi32>, vector<16xi32>], vector<16xf32>,
      %mul3A_466 = arith.constant 2 : i32
      %mul3A_467 = arith.muli %scan3A_363, %mul3A_466 : i32
      %mul3A_468 = arith.constant 128 : i32
      %mul3A_469 = arith.muli %mul3A_467, %mul3A_468 : i32
      %add3A_470 = arith.constant 144 : i32
      %add3A_471 = arith.addi %mul3A_469, %add3A_470 : i32
      %get3A_472 = arith.index_cast %add3A_471 : i32 to index
      %get3A_473 = tpu.vector_load %arg6[%get3A_472] {strides = array<i32>} : memref<2048xf32, #tpu.memory_space<vmem>>, vector<16xf32>,
      %add3A_474 = arith.constant 72 : i32
      %add3A_475 = vector.broadcast %add3A_474 : i32 to vector<16xi32>
      %add3A_476 = arith.addi %shift_right_logical3A_170, %add3A_475 : vector<16xi32>
      tpu.vector_store_idx %arg7[%broadcast_in_dim3A, %add3A_476, %and3A_173], %get3A_473 : memref<2x128x2xf32, #tpu.memory_space<vmem>>[vector<16xi32>, vector<16xi32>, vector<16xi32>], vector<16xf32>,
      %mul3A_477 = arith.constant 2 : i32
      %mul3A_478 = arith.muli %scan3A_363, %mul3A_477 : i32
      %mul3A_479 = arith.constant 128 : i32
      %mul3A_480 = arith.muli %mul3A_478, %mul3A_479 : i32
      %add3A_481 = arith.constant 160 : i32
      %add3A_482 = arith.addi %mul3A_480, %add3A_481 : i32
      %get3A_483 = arith.index_cast %add3A_482 : i32 to index
      %get3A_484 = tpu.vector_load %arg6[%get3A_483] {strides = array<i32>} : memref<2048xf32, #tpu.memory_space<vmem>>, vector<16xf32>,
      %add3A_485 = arith.constant 80 : i32
      %add3A_486 = vector.broadcast %add3A_485 : i32 to vector<16xi32>
      %add3A_487 = arith.addi %shift_right_logical3A_170, %add3A_486 : vector<16xi32>
      tpu.vector_store_idx %arg7[%broadcast_in_dim3A, %add3A_487, %and3A_173], %get3A_484 : memref<2x128x2xf32, #tpu.memory_space<vmem>>[vector<16xi32>, vector<16xi32>, vector<16xi32>], vector<16xf32>,
      %mul3A_488 = arith.constant 2 : i32
      %mul3A_489 = arith.muli %scan3A_363, %mul3A_488 : i32
      %mul3A_490 = arith.constant 128 : i32
      %mul3A_491 = arith.muli %mul3A_489, %mul3A_490 : i32
      %add3A_492 = arith.constant 176 : i32
      %add3A_493 = arith.addi %mul3A_491, %add3A_492 : i32
      %get3A_494 = arith.index_cast %add3A_493 : i32 to index
      %get3A_495 = tpu.vector_load %arg6[%get3A_494] {strides = array<i32>} : memref<2048xf32, #tpu.memory_space<vmem>>, vector<16xf32>,
      %add3A_496 = arith.constant 88 : i32
      %add3A_497 = vector.broadcast %add3A_496 : i32 to vector<16xi32>
      %add3A_498 = arith.addi %shift_right_logical3A_170, %add3A_497 : vector<16xi32>
      tpu.vector_store_idx %arg7[%broadcast_in_dim3A, %add3A_498, %and3A_173], %get3A_495 : memref<2x128x2xf32, #tpu.memory_space<vmem>>[vector<16xi32>, vector<16xi32>, vector<16xi32>], vector<16xf32>,
      %mul3A_499 = arith.constant 2 : i32
      %mul3A_500 = arith.muli %scan3A_363, %mul3A_499 : i32
      %mul3A_501 = arith.constant 128 : i32
      %mul3A_502 = arith.muli %mul3A_500, %mul3A_501 : i32
      %add3A_503 = arith.constant 192 : i32
      %add3A_504 = arith.addi %mul3A_502, %add3A_503 : i32
      %get3A_505 = arith.index_cast %add3A_504 : i32 to index
      %get3A_506 = tpu.vector_load %arg6[%get3A_505] {strides = array<i32>} : memref<2048xf32, #tpu.memory_space<vmem>>, vector<16xf32>,
      %add3A_507 = arith.constant 96 : i32
      %add3A_508 = vector.broadcast %add3A_507 : i32 to vector<16xi32>
      %add3A_509 = arith.addi %shift_right_logical3A_170, %add3A_508 : vector<16xi32>
      tpu.vector_store_idx %arg7[%broadcast_in_dim3A, %add3A_509, %and3A_173], %get3A_506 : memref<2x128x2xf32, #tpu.memory_space<vmem>>[vector<16xi32>, vector<16xi32>, vector<16xi32>], vector<16xf32>,
      %mul3A_510 = arith.constant 2 : i32
      %mul3A_511 = arith.muli %scan3A_363, %mul3A_510 : i32
      %mul3A_512 = arith.constant 128 : i32
      %mul3A_513 = arith.muli %mul3A_511, %mul3A_512 : i32
      %add3A_514 = arith.constant 208 : i32
      %add3A_515 = arith.addi %mul3A_513, %add3A_514 : i32
      %get3A_516 = arith.index_cast %add3A_515 : i32 to index
      %get3A_517 = tpu.vector_load %arg6[%get3A_516] {strides = array<i32>} : memref<2048xf32, #tpu.memory_space<vmem>>, vector<16xf32>,
      %add3A_518 = arith.constant 104 : i32
      %add3A_519 = vector.broadcast %add3A_518 : i32 to vector<16xi32>
      %add3A_520 = arith.addi %shift_right_logical3A_170, %add3A_519 : vector<16xi32>
      tpu.vector_store_idx %arg7[%broadcast_in_dim3A, %add3A_520, %and3A_173], %get3A_517 : memref<2x128x2xf32, #tpu.memory_space<vmem>>[vector<16xi32>, vector<16xi32>, vector<16xi32>], vector<16xf32>,
      %mul3A_521 = arith.constant 2 : i32
      %mul3A_522 = arith.muli %scan3A_363, %mul3A_521 : i32
      %mul3A_523 = arith.constant 128 : i32
      %mul3A_524 = arith.muli %mul3A_522, %mul3A_523 : i32
      %add3A_525 = arith.constant 224 : i32
      %add3A_526 = arith.addi %mul3A_524, %add3A_525 : i32
      %get3A_527 = arith.index_cast %add3A_526 : i32 to index
      %get3A_528 = tpu.vector_load %arg6[%get3A_527] {strides = array<i32>} : memref<2048xf32, #tpu.memory_space<vmem>>, vector<16xf32>,
      %add3A_529 = arith.constant 112 : i32
      %add3A_530 = vector.broadcast %add3A_529 : i32 to vector<16xi32>
      %add3A_531 = arith.addi %shift_right_logical3A_170, %add3A_530 : vector<16xi32>
      tpu.vector_store_idx %arg7[%broadcast_in_dim3A, %add3A_531, %and3A_173], %get3A_528 : memref<2x128x2xf32, #tpu.memory_space<vmem>>[vector<16xi32>, vector<16xi32>, vector<16xi32>], vector<16xf32>,
      %mul3A_532 = arith.constant 2 : i32
      %mul3A_533 = arith.muli %scan3A_363, %mul3A_532 : i32
      %mul3A_534 = arith.constant 128 : i32
      %mul3A_535 = arith.muli %mul3A_533, %mul3A_534 : i32
      %add3A_536 = arith.constant 240 : i32
      %add3A_537 = arith.addi %mul3A_535, %add3A_536 : i32
      %get3A_538 = arith.index_cast %add3A_537 : i32 to index
      %get3A_539 = tpu.vector_load %arg6[%get3A_538] {strides = array<i32>} : memref<2048xf32, #tpu.memory_space<vmem>>, vector<16xf32>,
      %add3A_540 = arith.constant 120 : i32
      %add3A_541 = vector.broadcast %add3A_540 : i32 to vector<16xi32>
      %add3A_542 = arith.addi %shift_right_logical3A_170, %add3A_541 : vector<16xi32>
      tpu.vector_store_idx %arg7[%broadcast_in_dim3A, %add3A_542, %and3A_173], %get3A_539 : memref<2x128x2xf32, #tpu.memory_space<vmem>>[vector<16xi32>, vector<16xi32>, vector<16xi32>], vector<16xf32>,
      %mul3A_543 = arith.constant 128 : i32
      %mul3A_544 = arith.muli %scan3A_363, %mul3A_543 : i32
      %add3A_545 = arith.addi %add3A_178, %mul3A_544 : i32
      %dma_start3A_546 = arith.constant 0 : i32
      %dma_start3A_547 = arith.constant 0 : i32
      %dma_start3A_548 = tpu.memref_slice %arg7[%rem3A_365, %dma_start3A_546, %dma_start3A_547] : memref<2x128x2xf32, #tpu.memory_space<vmem>> -> memref<1x128x2xf32, #tpu.memory_space<vmem>>
      %dma_start3A_549 = tpu.memref_squeeze %dma_start3A_548 : memref<1x128x2xf32, #tpu.memory_space<vmem>> -> memref<128x2xf32, #tpu.memory_space<vmem>>
      %dma_start3A_550 = arith.constant 0 : i32
      %dma_start3A_551 = tpu.memref_slice %arg4[%select_n3A_54, %add3A_545, %dma_start3A_550] : memref<4x8192x2xf32, #tpu.memory_space<hbm>> -> memref<1x128x2xf32, #tpu.memory_space<hbm>>
      %dma_start3A_552 = tpu.memref_squeeze %dma_start3A_551 : memref<1x128x2xf32, #tpu.memory_space<hbm>> -> memref<128x2xf32, #tpu.memory_space<hbm>>
      %dma_start3A_553 = arith.constant 0 : i32
      %dma_start3A_554 = tpu.memref_slice %arg4[%select_n3A_54, %add3A_545, %dma_start3A_553] : memref<4x8192x2xf32, #tpu.memory_space<hbm>> -> memref<1x128x2xf32, #tpu.memory_space<hbm>>
      %dma_start3A_555 = tpu.memref_squeeze %dma_start3A_554 : memref<1x128x2xf32, #tpu.memory_space<hbm>> -> memref<128x2xf32, #tpu.memory_space<hbm>>
      %dma_start3A_556 = arith.constant 0 : i32
      %dma_start3A_557 = arith.constant 0 : i32
      %dma_start3A_558 = tpu.memref_slice %arg7[%rem3A_365, %dma_start3A_556, %dma_start3A_557] : memref<2x128x2xf32, #tpu.memory_space<vmem>> -> memref<1x128x2xf32, #tpu.memory_space<vmem>>
      %dma_start3A_559 = tpu.memref_squeeze %dma_start3A_558 : memref<1x128x2xf32, #tpu.memory_space<vmem>> -> memref<128x2xf32, #tpu.memory_space<vmem>>
      tpu.enqueue_dma source(%dma_start3A_559 : memref<128x2xf32, #tpu.memory_space<vmem>>) target(%dma_start3A_555 : memref<128x2xf32, #tpu.memory_space<hbm>>) target_semaphore(%arg12 : memref<!tpu.dma_semaphore, #tpu.memory_space<semaphore_mem>>)
    }
    %scan3A_252 = arith.constant 2 : i32
    %dma_wait3A_253 = arith.constant 0 : i32
    %dma_wait3A_254 = tpu.memref_slice %arg6[%dma_wait3A_253] : memref<2048xf32, #tpu.memory_space<vmem>> -> memref<128xf32, #tpu.memory_space<vmem>>
    %dma_wait3A_255 = arith.constant 0 : i32
    %dma_wait3A_256 = tpu.memref_slice %arg3[%dma_wait3A_255] : memref<1048576xf32, #tpu.memory_space<hbm>> -> memref<128xf32, #tpu.memory_space<hbm>>
    %dma_wait3A_257 = arith.constant 0 : i32
    %dma_wait3A_258 = tpu.memref_slice %arg6[%dma_wait3A_257] : memref<2048xf32, #tpu.memory_space<vmem>> -> memref<128xf32, #tpu.memory_space<vmem>>
    %dma_wait3A_259 = arith.constant 0 : i32
    %dma_wait3A_260 = tpu.memref_slice %arg3[%dma_wait3A_259] : memref<1048576xf32, #tpu.memory_space<hbm>> -> memref<128xf32, #tpu.memory_space<hbm>>
    tpu.wait_dma2 semaphore(%arg10 : memref<!tpu.dma_semaphore, #tpu.memory_space<semaphore_mem>>) src(%dma_wait3A_260 : memref<128xf32, #tpu.memory_space<hbm>>) dst(%dma_wait3A_258 : memref<128xf32, #tpu.memory_space<vmem>>)
    %dma_wait3A_261 = arith.constant 128 : i32
    %dma_wait3A_262 = tpu.memref_slice %arg6[%dma_wait3A_261] : memref<2048xf32, #tpu.memory_space<vmem>> -> memref<128xf32, #tpu.memory_space<vmem>>
    %dma_wait3A_263 = arith.constant 0 : i32
    %dma_wait3A_264 = tpu.memref_slice %arg3[%dma_wait3A_263] : memref<1048576xf32, #tpu.memory_space<hbm>> -> memref<128xf32, #tpu.memory_space<hbm>>
    %dma_wait3A_265 = arith.constant 128 : i32
    %dma_wait3A_266 = tpu.memref_slice %arg6[%dma_wait3A_265] : memref<2048xf32, #tpu.memory_space<vmem>> -> memref<128xf32, #tpu.memory_space<vmem>>
    %dma_wait3A_267 = arith.constant 0 : i32
    %dma_wait3A_268 = tpu.memref_slice %arg3[%dma_wait3A_267] : memref<1048576xf32, #tpu.memory_space<hbm>> -> memref<128xf32, #tpu.memory_space<hbm>>
    tpu.wait_dma2 semaphore(%arg10 : memref<!tpu.dma_semaphore, #tpu.memory_space<semaphore_mem>>) src(%dma_wait3A_268 : memref<128xf32, #tpu.memory_space<hbm>>) dst(%dma_wait3A_266 : memref<128xf32, #tpu.memory_space<vmem>>)
    %dma_wait3A_269 = arith.constant 256 : i32
    %dma_wait3A_270 = tpu.memref_slice %arg6[%dma_wait3A_269] : memref<2048xf32, #tpu.memory_space<vmem>> -> memref<128xf32, #tpu.memory_space<vmem>>
    %dma_wait3A_271 = arith.constant 0 : i32
    %dma_wait3A_272 = tpu.memref_slice %arg3[%dma_wait3A_271] : memref<1048576xf32, #tpu.memory_space<hbm>> -> memref<128xf32, #tpu.memory_space<hbm>>
    %dma_wait3A_273 = arith.constant 256 : i32
    %dma_wait3A_274 = tpu.memref_slice %arg6[%dma_wait3A_273] : memref<2048xf32, #tpu.memory_space<vmem>> -> memref<128xf32, #tpu.memory_space<vmem>>
    %dma_wait3A_275 = arith.constant 0 : i32
    %dma_wait3A_276 = tpu.memref_slice %arg3[%dma_wait3A_275] : memref<1048576xf32, #tpu.memory_space<hbm>> -> memref<128xf32, #tpu.memory_space<hbm>>
    tpu.wait_dma2 semaphore(%arg10 : memref<!tpu.dma_semaphore, #tpu.memory_space<semaphore_mem>>) src(%dma_wait3A_276 : memref<128xf32, #tpu.memory_space<hbm>>) dst(%dma_wait3A_274 : memref<128xf32, #tpu.memory_space<vmem>>)
    %dma_wait3A_277 = arith.constant 384 : i32
    %dma_wait3A_278 = tpu.memref_slice %arg6[%dma_wait3A_277] : memref<2048xf32, #tpu.memory_space<vmem>> -> memref<128xf32, #tpu.memory_space<vmem>>
    %dma_wait3A_279 = arith.constant 0 : i32
    %dma_wait3A_280 = tpu.memref_slice %arg3[%dma_wait3A_279] : memref<1048576xf32, #tpu.memory_space<hbm>> -> memref<128xf32, #tpu.memory_space<hbm>>
    %dma_wait3A_281 = arith.constant 384 : i32
    %dma_wait3A_282 = tpu.memref_slice %arg6[%dma_wait3A_281] : memref<2048xf32, #tpu.memory_space<vmem>> -> memref<128xf32, #tpu.memory_space<vmem>>
    %dma_wait3A_283 = arith.constant 0 : i32
    %dma_wait3A_284 = tpu.memref_slice %arg3[%dma_wait3A_283] : memref<1048576xf32, #tpu.memory_space<hbm>> -> memref<128xf32, #tpu.memory_space<hbm>>
    tpu.wait_dma2 semaphore(%arg10 : memref<!tpu.dma_semaphore, #tpu.memory_space<semaphore_mem>>) src(%dma_wait3A_284 : memref<128xf32, #tpu.memory_space<hbm>>) dst(%dma_wait3A_282 : memref<128xf32, #tpu.memory_space<vmem>>)
    %scan3A_285 = arith.constant 0 : i32
    %scan3A_286 = arith.constant 4 : i32
    %scan3A_287 = arith.constant 2 : i32
    %scan3A_288 = arith.addi %scan3A_286, %scan3A_287 : i32
    %scan3A_289 = arith.constant 1 : i32
    scf.for %scan3A_363 = %scan3A_286 to %scan3A_288 step %scan3A_289  : i32 {
      %rem3A_364 = arith.constant 2 : i32
      %rem3A_365 = arith.remsi %scan3A_363, %rem3A_364 : i32
      %broadcast_in_dim3A = vector.broadcast %rem3A_365 : i32 to vector<16xi32>
      %ge3A = arith.constant 2 : i32
      %ge3A_366 = arith.cmpi sge, %scan3A_363, %ge3A : i32
      %convert_element_type3A = arith.extui %ge3A_366 : i1 to i32
      %cond3A = arith.constant 0 : i32
      %cond3A_367 = arith.cmpi ne, %convert_element_type3A, %cond3A : i32
      scf.if %cond3A_367 {
        %mul3A_560 = arith.constant 128 : i32
        %mul3A_561 = arith.muli %scan3A_363, %mul3A_560 : i32
        %add3A_562 = arith.addi %add3A_178, %mul3A_561 : i32
        %dma_wait3A_563 = arith.constant 0 : i32
        %dma_wait3A_564 = arith.constant 0 : i32
        %dma_wait3A_565 = tpu.memref_slice %arg7[%rem3A_365, %dma_wait3A_563, %dma_wait3A_564] : memref<2x128x2xf32, #tpu.memory_space<vmem>> -> memref<1x128x2xf32, #tpu.memory_space<vmem>>
        %dma_wait3A_566 = tpu.memref_squeeze %dma_wait3A_565 : memref<1x128x2xf32, #tpu.memory_space<vmem>> -> memref<128x2xf32, #tpu.memory_space<vmem>>
        %dma_wait3A_567 = arith.constant 0 : i32
        %dma_wait3A_568 = tpu.memref_slice %arg4[%select_n3A_54, %add3A_562, %dma_wait3A_567] : memref<4x8192x2xf32, #tpu.memory_space<hbm>> -> memref<1x128x2xf32, #tpu.memory_space<hbm>>
        %dma_wait3A_569 = tpu.memref_squeeze %dma_wait3A_568 : memref<1x128x2xf32, #tpu.memory_space<hbm>> -> memref<128x2xf32, #tpu.memory_space<hbm>>
        %dma_wait3A_570 = arith.constant 0 : i32
        %dma_wait3A_571 = arith.constant 0 : i32
        %dma_wait3A_572 = tpu.memref_slice %arg7[%rem3A_365, %dma_wait3A_570, %dma_wait3A_571] : memref<2x128x2xf32, #tpu.memory_space<vmem>> -> memref<1x128x2xf32, #tpu.memory_space<vmem>>
        %dma_wait3A_573 = tpu.memref_squeeze %dma_wait3A_572 : memref<1x128x2xf32, #tpu.memory_space<vmem>> -> memref<128x2xf32, #tpu.memory_space<vmem>>
        %dma_wait3A_574 = arith.constant 0 : i32
        %dma_wait3A_575 = tpu.memref_slice %arg4[%select_n3A_54, %add3A_562, %dma_wait3A_574] : memref<4x8192x2xf32, #tpu.memory_space<hbm>> -> memref<1x128x2xf32, #tpu.memory_space<hbm>>
        %dma_wait3A_576 = tpu.memref_squeeze %dma_wait3A_575 : memref<1x128x2xf32, #tpu.memory_space<hbm>> -> memref<128x2xf32, #tpu.memory_space<hbm>>
        tpu.wait_dma2 semaphore(%arg12 : memref<!tpu.dma_semaphore, #tpu.memory_space<semaphore_mem>>) src(%dma_wait3A_576 : memref<128x2xf32, #tpu.memory_space<hbm>>) dst(%dma_wait3A_573 : memref<128x2xf32, #tpu.memory_space<vmem>>)
      } else {
      }
      %mul3A_368 = arith.constant 2 : i32
      %mul3A_369 = arith.muli %scan3A_363, %mul3A_368 : i32
      %mul3A_370 = arith.constant 128 : i32
      %mul3A_371 = arith.muli %mul3A_369, %mul3A_370 : i32
      %add3A_372 = arith.constant 0 : i32
      %add3A_373 = arith.addi %mul3A_371, %add3A_372 : i32
      %get3A = arith.index_cast %add3A_373 : i32 to index
      %get3A_374 = tpu.vector_load %arg6[%get3A] {strides = array<i32>} : memref<2048xf32, #tpu.memory_space<vmem>>, vector<16xf32>,
      %add3A_375 = arith.constant 0 : i32
      %add3A_376 = vector.broadcast %add3A_375 : i32 to vector<16xi32>
      %add3A_377 = arith.addi %shift_right_logical3A_170, %add3A_376 : vector<16xi32>
      tpu.vector_store_idx %arg7[%broadcast_in_dim3A, %add3A_377, %and3A_173], %get3A_374 : memref<2x128x2xf32, #tpu.memory_space<vmem>>[vector<16xi32>, vector<16xi32>, vector<16xi32>], vector<16xf32>,
      %mul3A_378 = arith.constant 2 : i32
      %mul3A_379 = arith.muli %scan3A_363, %mul3A_378 : i32
      %mul3A_380 = arith.constant 128 : i32
      %mul3A_381 = arith.muli %mul3A_379, %mul3A_380 : i32
      %add3A_382 = arith.constant 16 : i32
      %add3A_383 = arith.addi %mul3A_381, %add3A_382 : i32
      %get3A_384 = arith.index_cast %add3A_383 : i32 to index
      %get3A_385 = tpu.vector_load %arg6[%get3A_384] {strides = array<i32>} : memref<2048xf32, #tpu.memory_space<vmem>>, vector<16xf32>,
      %add3A_386 = arith.constant 8 : i32
      %add3A_387 = vector.broadcast %add3A_386 : i32 to vector<16xi32>
      %add3A_388 = arith.addi %shift_right_logical3A_170, %add3A_387 : vector<16xi32>
      tpu.vector_store_idx %arg7[%broadcast_in_dim3A, %add3A_388, %and3A_173], %get3A_385 : memref<2x128x2xf32, #tpu.memory_space<vmem>>[vector<16xi32>, vector<16xi32>, vector<16xi32>], vector<16xf32>,
      %mul3A_389 = arith.constant 2 : i32
      %mul3A_390 = arith.muli %scan3A_363, %mul3A_389 : i32
      %mul3A_391 = arith.constant 128 : i32
      %mul3A_392 = arith.muli %mul3A_390, %mul3A_391 : i32
      %add3A_393 = arith.constant 32 : i32
      %add3A_394 = arith.addi %mul3A_392, %add3A_393 : i32
      %get3A_395 = arith.index_cast %add3A_394 : i32 to index
      %get3A_396 = tpu.vector_load %arg6[%get3A_395] {strides = array<i32>} : memref<2048xf32, #tpu.memory_space<vmem>>, vector<16xf32>,
      %add3A_397 = arith.constant 16 : i32
      %add3A_398 = vector.broadcast %add3A_397 : i32 to vector<16xi32>
      %add3A_399 = arith.addi %shift_right_logical3A_170, %add3A_398 : vector<16xi32>
      tpu.vector_store_idx %arg7[%broadcast_in_dim3A, %add3A_399, %and3A_173], %get3A_396 : memref<2x128x2xf32, #tpu.memory_space<vmem>>[vector<16xi32>, vector<16xi32>, vector<16xi32>], vector<16xf32>,
      %mul3A_400 = arith.constant 2 : i32
      %mul3A_401 = arith.muli %scan3A_363, %mul3A_400 : i32
      %mul3A_402 = arith.constant 128 : i32
      %mul3A_403 = arith.muli %mul3A_401, %mul3A_402 : i32
      %add3A_404 = arith.constant 48 : i32
      %add3A_405 = arith.addi %mul3A_403, %add3A_404 : i32
      %get3A_406 = arith.index_cast %add3A_405 : i32 to index
      %get3A_407 = tpu.vector_load %arg6[%get3A_406] {strides = array<i32>} : memref<2048xf32, #tpu.memory_space<vmem>>, vector<16xf32>,
      %add3A_408 = arith.constant 24 : i32
      %add3A_409 = vector.broadcast %add3A_408 : i32 to vector<16xi32>
      %add3A_410 = arith.addi %shift_right_logical3A_170, %add3A_409 : vector<16xi32>
      tpu.vector_store_idx %arg7[%broadcast_in_dim3A, %add3A_410, %and3A_173], %get3A_407 : memref<2x128x2xf32, #tpu.memory_space<vmem>>[vector<16xi32>, vector<16xi32>, vector<16xi32>], vector<16xf32>,
      %mul3A_411 = arith.constant 2 : i32
      %mul3A_412 = arith.muli %scan3A_363, %mul3A_411 : i32
      %mul3A_413 = arith.constant 128 : i32
      %mul3A_414 = arith.muli %mul3A_412, %mul3A_413 : i32
      %add3A_415 = arith.constant 64 : i32
      %add3A_416 = arith.addi %mul3A_414, %add3A_415 : i32
      %get3A_417 = arith.index_cast %add3A_416 : i32 to index
      %get3A_418 = tpu.vector_load %arg6[%get3A_417] {strides = array<i32>} : memref<2048xf32, #tpu.memory_space<vmem>>, vector<16xf32>,
      %add3A_419 = arith.constant 32 : i32
      %add3A_420 = vector.broadcast %add3A_419 : i32 to vector<16xi32>
      %add3A_421 = arith.addi %shift_right_logical3A_170, %add3A_420 : vector<16xi32>
      tpu.vector_store_idx %arg7[%broadcast_in_dim3A, %add3A_421, %and3A_173], %get3A_418 : memref<2x128x2xf32, #tpu.memory_space<vmem>>[vector<16xi32>, vector<16xi32>, vector<16xi32>], vector<16xf32>,
      %mul3A_422 = arith.constant 2 : i32
      %mul3A_423 = arith.muli %scan3A_363, %mul3A_422 : i32
      %mul3A_424 = arith.constant 128 : i32
      %mul3A_425 = arith.muli %mul3A_423, %mul3A_424 : i32
      %add3A_426 = arith.constant 80 : i32
      %add3A_427 = arith.addi %mul3A_425, %add3A_426 : i32
      %get3A_428 = arith.index_cast %add3A_427 : i32 to index
      %get3A_429 = tpu.vector_load %arg6[%get3A_428] {strides = array<i32>} : memref<2048xf32, #tpu.memory_space<vmem>>, vector<16xf32>,
      %add3A_430 = arith.constant 40 : i32
      %add3A_431 = vector.broadcast %add3A_430 : i32 to vector<16xi32>
      %add3A_432 = arith.addi %shift_right_logical3A_170, %add3A_431 : vector<16xi32>
      tpu.vector_store_idx %arg7[%broadcast_in_dim3A, %add3A_432, %and3A_173], %get3A_429 : memref<2x128x2xf32, #tpu.memory_space<vmem>>[vector<16xi32>, vector<16xi32>, vector<16xi32>], vector<16xf32>,
      %mul3A_433 = arith.constant 2 : i32
      %mul3A_434 = arith.muli %scan3A_363, %mul3A_433 : i32
      %mul3A_435 = arith.constant 128 : i32
      %mul3A_436 = arith.muli %mul3A_434, %mul3A_435 : i32
      %add3A_437 = arith.constant 96 : i32
      %add3A_438 = arith.addi %mul3A_436, %add3A_437 : i32
      %get3A_439 = arith.index_cast %add3A_438 : i32 to index
      %get3A_440 = tpu.vector_load %arg6[%get3A_439] {strides = array<i32>} : memref<2048xf32, #tpu.memory_space<vmem>>, vector<16xf32>,
      %add3A_441 = arith.constant 48 : i32
      %add3A_442 = vector.broadcast %add3A_441 : i32 to vector<16xi32>
      %add3A_443 = arith.addi %shift_right_logical3A_170, %add3A_442 : vector<16xi32>
      tpu.vector_store_idx %arg7[%broadcast_in_dim3A, %add3A_443, %and3A_173], %get3A_440 : memref<2x128x2xf32, #tpu.memory_space<vmem>>[vector<16xi32>, vector<16xi32>, vector<16xi32>], vector<16xf32>,
      %mul3A_444 = arith.constant 2 : i32
      %mul3A_445 = arith.muli %scan3A_363, %mul3A_444 : i32
      %mul3A_446 = arith.constant 128 : i32
      %mul3A_447 = arith.muli %mul3A_445, %mul3A_446 : i32
      %add3A_448 = arith.constant 112 : i32
      %add3A_449 = arith.addi %mul3A_447, %add3A_448 : i32
      %get3A_450 = arith.index_cast %add3A_449 : i32 to index
      %get3A_451 = tpu.vector_load %arg6[%get3A_450] {strides = array<i32>} : memref<2048xf32, #tpu.memory_space<vmem>>, vector<16xf32>,
      %add3A_452 = arith.constant 56 : i32
      %add3A_453 = vector.broadcast %add3A_452 : i32 to vector<16xi32>
      %add3A_454 = arith.addi %shift_right_logical3A_170, %add3A_453 : vector<16xi32>
      tpu.vector_store_idx %arg7[%broadcast_in_dim3A, %add3A_454, %and3A_173], %get3A_451 : memref<2x128x2xf32, #tpu.memory_space<vmem>>[vector<16xi32>, vector<16xi32>, vector<16xi32>], vector<16xf32>,
      %mul3A_455 = arith.constant 2 : i32
      %mul3A_456 = arith.muli %scan3A_363, %mul3A_455 : i32
      %mul3A_457 = arith.constant 128 : i32
      %mul3A_458 = arith.muli %mul3A_456, %mul3A_457 : i32
      %add3A_459 = arith.constant 128 : i32
      %add3A_460 = arith.addi %mul3A_458, %add3A_459 : i32
      %get3A_461 = arith.index_cast %add3A_460 : i32 to index
      %get3A_462 = tpu.vector_load %arg6[%get3A_461] {strides = array<i32>} : memref<2048xf32, #tpu.memory_space<vmem>>, vector<16xf32>,
      %add3A_463 = arith.constant 64 : i32
      %add3A_464 = vector.broadcast %add3A_463 : i32 to vector<16xi32>
      %add3A_465 = arith.addi %shift_right_logical3A_170, %add3A_464 : vector<16xi32>
      tpu.vector_store_idx %arg7[%broadcast_in_dim3A, %add3A_465, %and3A_173], %get3A_462 : memref<2x128x2xf32, #tpu.memory_space<vmem>>[vector<16xi32>, vector<16xi32>, vector<16xi32>], vector<16xf32>,
      %mul3A_466 = arith.constant 2 : i32
      %mul3A_467 = arith.muli %scan3A_363, %mul3A_466 : i32
      %mul3A_468 = arith.constant 128 : i32
      %mul3A_469 = arith.muli %mul3A_467, %mul3A_468 : i32
      %add3A_470 = arith.constant 144 : i32
      %add3A_471 = arith.addi %mul3A_469, %add3A_470 : i32
      %get3A_472 = arith.index_cast %add3A_471 : i32 to index
      %get3A_473 = tpu.vector_load %arg6[%get3A_472] {strides = array<i32>} : memref<2048xf32, #tpu.memory_space<vmem>>, vector<16xf32>,
      %add3A_474 = arith.constant 72 : i32
      %add3A_475 = vector.broadcast %add3A_474 : i32 to vector<16xi32>
      %add3A_476 = arith.addi %shift_right_logical3A_170, %add3A_475 : vector<16xi32>
      tpu.vector_store_idx %arg7[%broadcast_in_dim3A, %add3A_476, %and3A_173], %get3A_473 : memref<2x128x2xf32, #tpu.memory_space<vmem>>[vector<16xi32>, vector<16xi32>, vector<16xi32>], vector<16xf32>,
      %mul3A_477 = arith.constant 2 : i32
      %mul3A_478 = arith.muli %scan3A_363, %mul3A_477 : i32
      %mul3A_479 = arith.constant 128 : i32
      %mul3A_480 = arith.muli %mul3A_478, %mul3A_479 : i32
      %add3A_481 = arith.constant 160 : i32
      %add3A_482 = arith.addi %mul3A_480, %add3A_481 : i32
      %get3A_483 = arith.index_cast %add3A_482 : i32 to index
      %get3A_484 = tpu.vector_load %arg6[%get3A_483] {strides = array<i32>} : memref<2048xf32, #tpu.memory_space<vmem>>, vector<16xf32>,
      %add3A_485 = arith.constant 80 : i32
      %add3A_486 = vector.broadcast %add3A_485 : i32 to vector<16xi32>
      %add3A_487 = arith.addi %shift_right_logical3A_170, %add3A_486 : vector<16xi32>
      tpu.vector_store_idx %arg7[%broadcast_in_dim3A, %add3A_487, %and3A_173], %get3A_484 : memref<2x128x2xf32, #tpu.memory_space<vmem>>[vector<16xi32>, vector<16xi32>, vector<16xi32>], vector<16xf32>,
      %mul3A_488 = arith.constant 2 : i32
      %mul3A_489 = arith.muli %scan3A_363, %mul3A_488 : i32
      %mul3A_490 = arith.constant 128 : i32
      %mul3A_491 = arith.muli %mul3A_489, %mul3A_490 : i32
      %add3A_492 = arith.constant 176 : i32
      %add3A_493 = arith.addi %mul3A_491, %add3A_492 : i32
      %get3A_494 = arith.index_cast %add3A_493 : i32 to index
      %get3A_495 = tpu.vector_load %arg6[%get3A_494] {strides = array<i32>} : memref<2048xf32, #tpu.memory_space<vmem>>, vector<16xf32>,
      %add3A_496 = arith.constant 88 : i32
      %add3A_497 = vector.broadcast %add3A_496 : i32 to vector<16xi32>
      %add3A_498 = arith.addi %shift_right_logical3A_170, %add3A_497 : vector<16xi32>
      tpu.vector_store_idx %arg7[%broadcast_in_dim3A, %add3A_498, %and3A_173], %get3A_495 : memref<2x128x2xf32, #tpu.memory_space<vmem>>[vector<16xi32>, vector<16xi32>, vector<16xi32>], vector<16xf32>,
      %mul3A_499 = arith.constant 2 : i32
      %mul3A_500 = arith.muli %scan3A_363, %mul3A_499 : i32
      %mul3A_501 = arith.constant 128 : i32
      %mul3A_502 = arith.muli %mul3A_500, %mul3A_501 : i32
      %add3A_503 = arith.constant 192 : i32
      %add3A_504 = arith.addi %mul3A_502, %add3A_503 : i32
      %get3A_505 = arith.index_cast %add3A_504 : i32 to index
      %get3A_506 = tpu.vector_load %arg6[%get3A_505] {strides = array<i32>} : memref<2048xf32, #tpu.memory_space<vmem>>, vector<16xf32>,
      %add3A_507 = arith.constant 96 : i32
      %add3A_508 = vector.broadcast %add3A_507 : i32 to vector<16xi32>
      %add3A_509 = arith.addi %shift_right_logical3A_170, %add3A_508 : vector<16xi32>
      tpu.vector_store_idx %arg7[%broadcast_in_dim3A, %add3A_509, %and3A_173], %get3A_506 : memref<2x128x2xf32, #tpu.memory_space<vmem>>[vector<16xi32>, vector<16xi32>, vector<16xi32>], vector<16xf32>,
      %mul3A_510 = arith.constant 2 : i32
      %mul3A_511 = arith.muli %scan3A_363, %mul3A_510 : i32
      %mul3A_512 = arith.constant 128 : i32
      %mul3A_513 = arith.muli %mul3A_511, %mul3A_512 : i32
      %add3A_514 = arith.constant 208 : i32
      %add3A_515 = arith.addi %mul3A_513, %add3A_514 : i32
      %get3A_516 = arith.index_cast %add3A_515 : i32 to index
      %get3A_517 = tpu.vector_load %arg6[%get3A_516] {strides = array<i32>} : memref<2048xf32, #tpu.memory_space<vmem>>, vector<16xf32>,
      %add3A_518 = arith.constant 104 : i32
      %add3A_519 = vector.broadcast %add3A_518 : i32 to vector<16xi32>
      %add3A_520 = arith.addi %shift_right_logical3A_170, %add3A_519 : vector<16xi32>
      tpu.vector_store_idx %arg7[%broadcast_in_dim3A, %add3A_520, %and3A_173], %get3A_517 : memref<2x128x2xf32, #tpu.memory_space<vmem>>[vector<16xi32>, vector<16xi32>, vector<16xi32>], vector<16xf32>,
      %mul3A_521 = arith.constant 2 : i32
      %mul3A_522 = arith.muli %scan3A_363, %mul3A_521 : i32
      %mul3A_523 = arith.constant 128 : i32
      %mul3A_524 = arith.muli %mul3A_522, %mul3A_523 : i32
      %add3A_525 = arith.constant 224 : i32
      %add3A_526 = arith.addi %mul3A_524, %add3A_525 : i32
      %get3A_527 = arith.index_cast %add3A_526 : i32 to index
      %get3A_528 = tpu.vector_load %arg6[%get3A_527] {strides = array<i32>} : memref<2048xf32, #tpu.memory_space<vmem>>, vector<16xf32>,
      %add3A_529 = arith.constant 112 : i32
      %add3A_530 = vector.broadcast %add3A_529 : i32 to vector<16xi32>
      %add3A_531 = arith.addi %shift_right_logical3A_170, %add3A_530 : vector<16xi32>
      tpu.vector_store_idx %arg7[%broadcast_in_dim3A, %add3A_531, %and3A_173], %get3A_528 : memref<2x128x2xf32, #tpu.memory_space<vmem>>[vector<16xi32>, vector<16xi32>, vector<16xi32>], vector<16xf32>,
      %mul3A_532 = arith.constant 2 : i32
      %mul3A_533 = arith.muli %scan3A_363, %mul3A_532 : i32
      %mul3A_534 = arith.constant 128 : i32
      %mul3A_535 = arith.muli %mul3A_533, %mul3A_534 : i32
      %add3A_536 = arith.constant 240 : i32
      %add3A_537 = arith.addi %mul3A_535, %add3A_536 : i32
      %get3A_538 = arith.index_cast %add3A_537 : i32 to index
      %get3A_539 = tpu.vector_load %arg6[%get3A_538] {strides = array<i32>} : memref<2048xf32, #tpu.memory_space<vmem>>, vector<16xf32>,
      %add3A_540 = arith.constant 120 : i32
      %add3A_541 = vector.broadcast %add3A_540 : i32 to vector<16xi32>
      %add3A_542 = arith.addi %shift_right_logical3A_170, %add3A_541 : vector<16xi32>
      tpu.vector_store_idx %arg7[%broadcast_in_dim3A, %add3A_542, %and3A_173], %get3A_539 : memref<2x128x2xf32, #tpu.memory_space<vmem>>[vector<16xi32>, vector<16xi32>, vector<16xi32>], vector<16xf32>,
      %mul3A_543 = arith.constant 128 : i32
      %mul3A_544 = arith.muli %scan3A_363, %mul3A_543 : i32
      %add3A_545 = arith.addi %add3A_178, %mul3A_544 : i32
      %dma_start3A_546 = arith.constant 0 : i32
      %dma_start3A_547 = arith.constant 0 : i32
      %dma_start3A_548 = tpu.memref_slice %arg7[%rem3A_365, %dma_start3A_546, %dma_start3A_547] : memref<2x128x2xf32, #tpu.memory_space<vmem>> -> memref<1x128x2xf32, #tpu.memory_space<vmem>>
      %dma_start3A_549 = tpu.memref_squeeze %dma_start3A_548 : memref<1x128x2xf32, #tpu.memory_space<vmem>> -> memref<128x2xf32, #tpu.memory_space<vmem>>
      %dma_start3A_550 = arith.constant 0 : i32
      %dma_start3A_551 = tpu.memref_slice %arg4[%select_n3A_54, %add3A_545, %dma_start3A_550] : memref<4x8192x2xf32, #tpu.memory_space<hbm>> -> memref<1x128x2xf32, #tpu.memory_space<hbm>>
      %dma_start3A_552 = tpu.memref_squeeze %dma_start3A_551 : memref<1x128x2xf32, #tpu.memory_space<hbm>> -> memref<128x2xf32, #tpu.memory_space<hbm>>
      %dma_start3A_553 = arith.constant 0 : i32
      %dma_start3A_554 = tpu.memref_slice %arg4[%select_n3A_54, %add3A_545, %dma_start3A_553] : memref<4x8192x2xf32, #tpu.memory_space<hbm>> -> memref<1x128x2xf32, #tpu.memory_space<hbm>>
      %dma_start3A_555 = tpu.memref_squeeze %dma_start3A_554 : memref<1x128x2xf32, #tpu.memory_space<hbm>> -> memref<128x2xf32, #tpu.memory_space<hbm>>
      %dma_start3A_556 = arith.constant 0 : i32
      %dma_start3A_557 = arith.constant 0 : i32
      %dma_start3A_558 = tpu.memref_slice %arg7[%rem3A_365, %dma_start3A_556, %dma_start3A_557] : memref<2x128x2xf32, #tpu.memory_space<vmem>> -> memref<1x128x2xf32, #tpu.memory_space<vmem>>
      %dma_start3A_559 = tpu.memref_squeeze %dma_start3A_558 : memref<1x128x2xf32, #tpu.memory_space<vmem>> -> memref<128x2xf32, #tpu.memory_space<vmem>>
      tpu.enqueue_dma source(%dma_start3A_559 : memref<128x2xf32, #tpu.memory_space<vmem>>) target(%dma_start3A_555 : memref<128x2xf32, #tpu.memory_space<hbm>>) target_semaphore(%arg12 : memref<!tpu.dma_semaphore, #tpu.memory_space<semaphore_mem>>)
    }
    %scan3A_290 = arith.constant 2 : i32
    %dma_wait3A_291 = arith.constant 0 : i32
    %dma_wait3A_292 = tpu.memref_slice %arg6[%dma_wait3A_291] : memref<2048xf32, #tpu.memory_space<vmem>> -> memref<128xf32, #tpu.memory_space<vmem>>
    %dma_wait3A_293 = arith.constant 0 : i32
    %dma_wait3A_294 = tpu.memref_slice %arg3[%dma_wait3A_293] : memref<1048576xf32, #tpu.memory_space<hbm>> -> memref<128xf32, #tpu.memory_space<hbm>>
    %dma_wait3A_295 = arith.constant 0 : i32
    %dma_wait3A_296 = tpu.memref_slice %arg6[%dma_wait3A_295] : memref<2048xf32, #tpu.memory_space<vmem>> -> memref<128xf32, #tpu.memory_space<vmem>>
    %dma_wait3A_297 = arith.constant 0 : i32
    %dma_wait3A_298 = tpu.memref_slice %arg3[%dma_wait3A_297] : memref<1048576xf32, #tpu.memory_space<hbm>> -> memref<128xf32, #tpu.memory_space<hbm>>
    tpu.wait_dma2 semaphore(%arg11 : memref<!tpu.dma_semaphore, #tpu.memory_space<semaphore_mem>>) src(%dma_wait3A_298 : memref<128xf32, #tpu.memory_space<hbm>>) dst(%dma_wait3A_296 : memref<128xf32, #tpu.memory_space<vmem>>)
    %dma_wait3A_299 = arith.constant 128 : i32
    %dma_wait3A_300 = tpu.memref_slice %arg6[%dma_wait3A_299] : memref<2048xf32, #tpu.memory_space<vmem>> -> memref<128xf32, #tpu.memory_space<vmem>>
    %dma_wait3A_301 = arith.constant 0 : i32
    %dma_wait3A_302 = tpu.memref_slice %arg3[%dma_wait3A_301] : memref<1048576xf32, #tpu.memory_space<hbm>> -> memref<128xf32, #tpu.memory_space<hbm>>
    %dma_wait3A_303 = arith.constant 128 : i32
    %dma_wait3A_304 = tpu.memref_slice %arg6[%dma_wait3A_303] : memref<2048xf32, #tpu.memory_space<vmem>> -> memref<128xf32, #tpu.memory_space<vmem>>
    %dma_wait3A_305 = arith.constant 0 : i32
    %dma_wait3A_306 = tpu.memref_slice %arg3[%dma_wait3A_305] : memref<1048576xf32, #tpu.memory_space<hbm>> -> memref<128xf32, #tpu.memory_space<hbm>>
    tpu.wait_dma2 semaphore(%arg11 : memref<!tpu.dma_semaphore, #tpu.memory_space<semaphore_mem>>) src(%dma_wait3A_306 : memref<128xf32, #tpu.memory_space<hbm>>) dst(%dma_wait3A_304 : memref<128xf32, #tpu.memory_space<vmem>>)
    %dma_wait3A_307 = arith.constant 256 : i32
    %dma_wait3A_308 = tpu.memref_slice %arg6[%dma_wait3A_307] : memref<2048xf32, #tpu.memory_space<vmem>> -> memref<128xf32, #tpu.memory_space<vmem>>
    %dma_wait3A_309 = arith.constant 0 : i32
    %dma_wait3A_310 = tpu.memref_slice %arg3[%dma_wait3A_309] : memref<1048576xf32, #tpu.memory_space<hbm>> -> memref<128xf32, #tpu.memory_space<hbm>>
    %dma_wait3A_311 = arith.constant 256 : i32
    %dma_wait3A_312 = tpu.memref_slice %arg6[%dma_wait3A_311] : memref<2048xf32, #tpu.memory_space<vmem>> -> memref<128xf32, #tpu.memory_space<vmem>>
    %dma_wait3A_313 = arith.constant 0 : i32
    %dma_wait3A_314 = tpu.memref_slice %arg3[%dma_wait3A_313] : memref<1048576xf32, #tpu.memory_space<hbm>> -> memref<128xf32, #tpu.memory_space<hbm>>
    tpu.wait_dma2 semaphore(%arg11 : memref<!tpu.dma_semaphore, #tpu.memory_space<semaphore_mem>>) src(%dma_wait3A_314 : memref<128xf32, #tpu.memory_space<hbm>>) dst(%dma_wait3A_312 : memref<128xf32, #tpu.memory_space<vmem>>)
    %dma_wait3A_315 = arith.constant 384 : i32
    %dma_wait3A_316 = tpu.memref_slice %arg6[%dma_wait3A_315] : memref<2048xf32, #tpu.memory_space<vmem>> -> memref<128xf32, #tpu.memory_space<vmem>>
    %dma_wait3A_317 = arith.constant 0 : i32
    %dma_wait3A_318 = tpu.memref_slice %arg3[%dma_wait3A_317] : memref<1048576xf32, #tpu.memory_space<hbm>> -> memref<128xf32, #tpu.memory_space<hbm>>
    %dma_wait3A_319 = arith.constant 384 : i32
    %dma_wait3A_320 = tpu.memref_slice %arg6[%dma_wait3A_319] : memref<2048xf32, #tpu.memory_space<vmem>> -> memref<128xf32, #tpu.memory_space<vmem>>
    %dma_wait3A_321 = arith.constant 0 : i32
    %dma_wait3A_322 = tpu.memref_slice %arg3[%dma_wait3A_321] : memref<1048576xf32, #tpu.memory_space<hbm>> -> memref<128xf32, #tpu.memory_space<hbm>>
    tpu.wait_dma2 semaphore(%arg11 : memref<!tpu.dma_semaphore, #tpu.memory_space<semaphore_mem>>) src(%dma_wait3A_322 : memref<128xf32, #tpu.memory_space<hbm>>) dst(%dma_wait3A_320 : memref<128xf32, #tpu.memory_space<vmem>>)
    %scan3A_323 = arith.constant 0 : i32
    %scan3A_324 = arith.constant 6 : i32
    %scan3A_325 = arith.constant 2 : i32
    %scan3A_326 = arith.addi %scan3A_324, %scan3A_325 : i32
    %scan3A_327 = arith.constant 1 : i32
    scf.for %scan3A_363 = %scan3A_324 to %scan3A_326 step %scan3A_327  : i32 {
      %rem3A_364 = arith.constant 2 : i32
      %rem3A_365 = arith.remsi %scan3A_363, %rem3A_364 : i32
      %broadcast_in_dim3A = vector.broadcast %rem3A_365 : i32 to vector<16xi32>
      %ge3A = arith.constant 2 : i32
      %ge3A_366 = arith.cmpi sge, %scan3A_363, %ge3A : i32
      %convert_element_type3A = arith.extui %ge3A_366 : i1 to i32
      %cond3A = arith.constant 0 : i32
      %cond3A_367 = arith.cmpi ne, %convert_element_type3A, %cond3A : i32
      scf.if %cond3A_367 {
        %mul3A_560 = arith.constant 128 : i32
        %mul3A_561 = arith.muli %scan3A_363, %mul3A_560 : i32
        %add3A_562 = arith.addi %add3A_178, %mul3A_561 : i32
        %dma_wait3A_563 = arith.constant 0 : i32
        %dma_wait3A_564 = arith.constant 0 : i32
        %dma_wait3A_565 = tpu.memref_slice %arg7[%rem3A_365, %dma_wait3A_563, %dma_wait3A_564] : memref<2x128x2xf32, #tpu.memory_space<vmem>> -> memref<1x128x2xf32, #tpu.memory_space<vmem>>
        %dma_wait3A_566 = tpu.memref_squeeze %dma_wait3A_565 : memref<1x128x2xf32, #tpu.memory_space<vmem>> -> memref<128x2xf32, #tpu.memory_space<vmem>>
        %dma_wait3A_567 = arith.constant 0 : i32
        %dma_wait3A_568 = tpu.memref_slice %arg4[%select_n3A_54, %add3A_562, %dma_wait3A_567] : memref<4x8192x2xf32, #tpu.memory_space<hbm>> -> memref<1x128x2xf32, #tpu.memory_space<hbm>>
        %dma_wait3A_569 = tpu.memref_squeeze %dma_wait3A_568 : memref<1x128x2xf32, #tpu.memory_space<hbm>> -> memref<128x2xf32, #tpu.memory_space<hbm>>
        %dma_wait3A_570 = arith.constant 0 : i32
        %dma_wait3A_571 = arith.constant 0 : i32
        %dma_wait3A_572 = tpu.memref_slice %arg7[%rem3A_365, %dma_wait3A_570, %dma_wait3A_571] : memref<2x128x2xf32, #tpu.memory_space<vmem>> -> memref<1x128x2xf32, #tpu.memory_space<vmem>>
        %dma_wait3A_573 = tpu.memref_squeeze %dma_wait3A_572 : memref<1x128x2xf32, #tpu.memory_space<vmem>> -> memref<128x2xf32, #tpu.memory_space<vmem>>
        %dma_wait3A_574 = arith.constant 0 : i32
        %dma_wait3A_575 = tpu.memref_slice %arg4[%select_n3A_54, %add3A_562, %dma_wait3A_574] : memref<4x8192x2xf32, #tpu.memory_space<hbm>> -> memref<1x128x2xf32, #tpu.memory_space<hbm>>
        %dma_wait3A_576 = tpu.memref_squeeze %dma_wait3A_575 : memref<1x128x2xf32, #tpu.memory_space<hbm>> -> memref<128x2xf32, #tpu.memory_space<hbm>>
        tpu.wait_dma2 semaphore(%arg12 : memref<!tpu.dma_semaphore, #tpu.memory_space<semaphore_mem>>) src(%dma_wait3A_576 : memref<128x2xf32, #tpu.memory_space<hbm>>) dst(%dma_wait3A_573 : memref<128x2xf32, #tpu.memory_space<vmem>>)
      } else {
      }
      %mul3A_368 = arith.constant 2 : i32
      %mul3A_369 = arith.muli %scan3A_363, %mul3A_368 : i32
      %mul3A_370 = arith.constant 128 : i32
      %mul3A_371 = arith.muli %mul3A_369, %mul3A_370 : i32
      %add3A_372 = arith.constant 0 : i32
      %add3A_373 = arith.addi %mul3A_371, %add3A_372 : i32
      %get3A = arith.index_cast %add3A_373 : i32 to index
      %get3A_374 = tpu.vector_load %arg6[%get3A] {strides = array<i32>} : memref<2048xf32, #tpu.memory_space<vmem>>, vector<16xf32>,
      %add3A_375 = arith.constant 0 : i32
      %add3A_376 = vector.broadcast %add3A_375 : i32 to vector<16xi32>
      %add3A_377 = arith.addi %shift_right_logical3A_170, %add3A_376 : vector<16xi32>
      tpu.vector_store_idx %arg7[%broadcast_in_dim3A, %add3A_377, %and3A_173], %get3A_374 : memref<2x128x2xf32, #tpu.memory_space<vmem>>[vector<16xi32>, vector<16xi32>, vector<16xi32>], vector<16xf32>,
      %mul3A_378 = arith.constant 2 : i32
      %mul3A_379 = arith.muli %scan3A_363, %mul3A_378 : i32
      %mul3A_380 = arith.constant 128 : i32
      %mul3A_381 = arith.muli %mul3A_379, %mul3A_380 : i32
      %add3A_382 = arith.constant 16 : i32
      %add3A_383 = arith.addi %mul3A_381, %add3A_382 : i32
      %get3A_384 = arith.index_cast %add3A_383 : i32 to index
      %get3A_385 = tpu.vector_load %arg6[%get3A_384] {strides = array<i32>} : memref<2048xf32, #tpu.memory_space<vmem>>, vector<16xf32>,
      %add3A_386 = arith.constant 8 : i32
      %add3A_387 = vector.broadcast %add3A_386 : i32 to vector<16xi32>
      %add3A_388 = arith.addi %shift_right_logical3A_170, %add3A_387 : vector<16xi32>
      tpu.vector_store_idx %arg7[%broadcast_in_dim3A, %add3A_388, %and3A_173], %get3A_385 : memref<2x128x2xf32, #tpu.memory_space<vmem>>[vector<16xi32>, vector<16xi32>, vector<16xi32>], vector<16xf32>,
      %mul3A_389 = arith.constant 2 : i32
      %mul3A_390 = arith.muli %scan3A_363, %mul3A_389 : i32
      %mul3A_391 = arith.constant 128 : i32
      %mul3A_392 = arith.muli %mul3A_390, %mul3A_391 : i32
      %add3A_393 = arith.constant 32 : i32
      %add3A_394 = arith.addi %mul3A_392, %add3A_393 : i32
      %get3A_395 = arith.index_cast %add3A_394 : i32 to index
      %get3A_396 = tpu.vector_load %arg6[%get3A_395] {strides = array<i32>} : memref<2048xf32, #tpu.memory_space<vmem>>, vector<16xf32>,
      %add3A_397 = arith.constant 16 : i32
      %add3A_398 = vector.broadcast %add3A_397 : i32 to vector<16xi32>
      %add3A_399 = arith.addi %shift_right_logical3A_170, %add3A_398 : vector<16xi32>
      tpu.vector_store_idx %arg7[%broadcast_in_dim3A, %add3A_399, %and3A_173], %get3A_396 : memref<2x128x2xf32, #tpu.memory_space<vmem>>[vector<16xi32>, vector<16xi32>, vector<16xi32>], vector<16xf32>,
      %mul3A_400 = arith.constant 2 : i32
      %mul3A_401 = arith.muli %scan3A_363, %mul3A_400 : i32
      %mul3A_402 = arith.constant 128 : i32
      %mul3A_403 = arith.muli %mul3A_401, %mul3A_402 : i32
      %add3A_404 = arith.constant 48 : i32
      %add3A_405 = arith.addi %mul3A_403, %add3A_404 : i32
      %get3A_406 = arith.index_cast %add3A_405 : i32 to index
      %get3A_407 = tpu.vector_load %arg6[%get3A_406] {strides = array<i32>} : memref<2048xf32, #tpu.memory_space<vmem>>, vector<16xf32>,
      %add3A_408 = arith.constant 24 : i32
      %add3A_409 = vector.broadcast %add3A_408 : i32 to vector<16xi32>
      %add3A_410 = arith.addi %shift_right_logical3A_170, %add3A_409 : vector<16xi32>
      tpu.vector_store_idx %arg7[%broadcast_in_dim3A, %add3A_410, %and3A_173], %get3A_407 : memref<2x128x2xf32, #tpu.memory_space<vmem>>[vector<16xi32>, vector<16xi32>, vector<16xi32>], vector<16xf32>,
      %mul3A_411 = arith.constant 2 : i32
      %mul3A_412 = arith.muli %scan3A_363, %mul3A_411 : i32
      %mul3A_413 = arith.constant 128 : i32
      %mul3A_414 = arith.muli %mul3A_412, %mul3A_413 : i32
      %add3A_415 = arith.constant 64 : i32
      %add3A_416 = arith.addi %mul3A_414, %add3A_415 : i32
      %get3A_417 = arith.index_cast %add3A_416 : i32 to index
      %get3A_418 = tpu.vector_load %arg6[%get3A_417] {strides = array<i32>} : memref<2048xf32, #tpu.memory_space<vmem>>, vector<16xf32>,
      %add3A_419 = arith.constant 32 : i32
      %add3A_420 = vector.broadcast %add3A_419 : i32 to vector<16xi32>
      %add3A_421 = arith.addi %shift_right_logical3A_170, %add3A_420 : vector<16xi32>
      tpu.vector_store_idx %arg7[%broadcast_in_dim3A, %add3A_421, %and3A_173], %get3A_418 : memref<2x128x2xf32, #tpu.memory_space<vmem>>[vector<16xi32>, vector<16xi32>, vector<16xi32>], vector<16xf32>,
      %mul3A_422 = arith.constant 2 : i32
      %mul3A_423 = arith.muli %scan3A_363, %mul3A_422 : i32
      %mul3A_424 = arith.constant 128 : i32
      %mul3A_425 = arith.muli %mul3A_423, %mul3A_424 : i32
      %add3A_426 = arith.constant 80 : i32
      %add3A_427 = arith.addi %mul3A_425, %add3A_426 : i32
      %get3A_428 = arith.index_cast %add3A_427 : i32 to index
      %get3A_429 = tpu.vector_load %arg6[%get3A_428] {strides = array<i32>} : memref<2048xf32, #tpu.memory_space<vmem>>, vector<16xf32>,
      %add3A_430 = arith.constant 40 : i32
      %add3A_431 = vector.broadcast %add3A_430 : i32 to vector<16xi32>
      %add3A_432 = arith.addi %shift_right_logical3A_170, %add3A_431 : vector<16xi32>
      tpu.vector_store_idx %arg7[%broadcast_in_dim3A, %add3A_432, %and3A_173], %get3A_429 : memref<2x128x2xf32, #tpu.memory_space<vmem>>[vector<16xi32>, vector<16xi32>, vector<16xi32>], vector<16xf32>,
      %mul3A_433 = arith.constant 2 : i32
      %mul3A_434 = arith.muli %scan3A_363, %mul3A_433 : i32
      %mul3A_435 = arith.constant 128 : i32
      %mul3A_436 = arith.muli %mul3A_434, %mul3A_435 : i32
      %add3A_437 = arith.constant 96 : i32
      %add3A_438 = arith.addi %mul3A_436, %add3A_437 : i32
      %get3A_439 = arith.index_cast %add3A_438 : i32 to index
      %get3A_440 = tpu.vector_load %arg6[%get3A_439] {strides = array<i32>} : memref<2048xf32, #tpu.memory_space<vmem>>, vector<16xf32>,
      %add3A_441 = arith.constant 48 : i32
      %add3A_442 = vector.broadcast %add3A_441 : i32 to vector<16xi32>
      %add3A_443 = arith.addi %shift_right_logical3A_170, %add3A_442 : vector<16xi32>
      tpu.vector_store_idx %arg7[%broadcast_in_dim3A, %add3A_443, %and3A_173], %get3A_440 : memref<2x128x2xf32, #tpu.memory_space<vmem>>[vector<16xi32>, vector<16xi32>, vector<16xi32>], vector<16xf32>,
      %mul3A_444 = arith.constant 2 : i32
      %mul3A_445 = arith.muli %scan3A_363, %mul3A_444 : i32
      %mul3A_446 = arith.constant 128 : i32
      %mul3A_447 = arith.muli %mul3A_445, %mul3A_446 : i32
      %add3A_448 = arith.constant 112 : i32
      %add3A_449 = arith.addi %mul3A_447, %add3A_448 : i32
      %get3A_450 = arith.index_cast %add3A_449 : i32 to index
      %get3A_451 = tpu.vector_load %arg6[%get3A_450] {strides = array<i32>} : memref<2048xf32, #tpu.memory_space<vmem>>, vector<16xf32>,
      %add3A_452 = arith.constant 56 : i32
      %add3A_453 = vector.broadcast %add3A_452 : i32 to vector<16xi32>
      %add3A_454 = arith.addi %shift_right_logical3A_170, %add3A_453 : vector<16xi32>
      tpu.vector_store_idx %arg7[%broadcast_in_dim3A, %add3A_454, %and3A_173], %get3A_451 : memref<2x128x2xf32, #tpu.memory_space<vmem>>[vector<16xi32>, vector<16xi32>, vector<16xi32>], vector<16xf32>,
      %mul3A_455 = arith.constant 2 : i32
      %mul3A_456 = arith.muli %scan3A_363, %mul3A_455 : i32
      %mul3A_457 = arith.constant 128 : i32
      %mul3A_458 = arith.muli %mul3A_456, %mul3A_457 : i32
      %add3A_459 = arith.constant 128 : i32
      %add3A_460 = arith.addi %mul3A_458, %add3A_459 : i32
      %get3A_461 = arith.index_cast %add3A_460 : i32 to index
      %get3A_462 = tpu.vector_load %arg6[%get3A_461] {strides = array<i32>} : memref<2048xf32, #tpu.memory_space<vmem>>, vector<16xf32>,
      %add3A_463 = arith.constant 64 : i32
      %add3A_464 = vector.broadcast %add3A_463 : i32 to vector<16xi32>
      %add3A_465 = arith.addi %shift_right_logical3A_170, %add3A_464 : vector<16xi32>
      tpu.vector_store_idx %arg7[%broadcast_in_dim3A, %add3A_465, %and3A_173], %get3A_462 : memref<2x128x2xf32, #tpu.memory_space<vmem>>[vector<16xi32>, vector<16xi32>, vector<16xi32>], vector<16xf32>,
      %mul3A_466 = arith.constant 2 : i32
      %mul3A_467 = arith.muli %scan3A_363, %mul3A_466 : i32
      %mul3A_468 = arith.constant 128 : i32
      %mul3A_469 = arith.muli %mul3A_467, %mul3A_468 : i32
      %add3A_470 = arith.constant 144 : i32
      %add3A_471 = arith.addi %mul3A_469, %add3A_470 : i32
      %get3A_472 = arith.index_cast %add3A_471 : i32 to index
      %get3A_473 = tpu.vector_load %arg6[%get3A_472] {strides = array<i32>} : memref<2048xf32, #tpu.memory_space<vmem>>, vector<16xf32>,
      %add3A_474 = arith.constant 72 : i32
      %add3A_475 = vector.broadcast %add3A_474 : i32 to vector<16xi32>
      %add3A_476 = arith.addi %shift_right_logical3A_170, %add3A_475 : vector<16xi32>
      tpu.vector_store_idx %arg7[%broadcast_in_dim3A, %add3A_476, %and3A_173], %get3A_473 : memref<2x128x2xf32, #tpu.memory_space<vmem>>[vector<16xi32>, vector<16xi32>, vector<16xi32>], vector<16xf32>,
      %mul3A_477 = arith.constant 2 : i32
      %mul3A_478 = arith.muli %scan3A_363, %mul3A_477 : i32
      %mul3A_479 = arith.constant 128 : i32
      %mul3A_480 = arith.muli %mul3A_478, %mul3A_479 : i32
      %add3A_481 = arith.constant 160 : i32
      %add3A_482 = arith.addi %mul3A_480, %add3A_481 : i32
      %get3A_483 = arith.index_cast %add3A_482 : i32 to index
      %get3A_484 = tpu.vector_load %arg6[%get3A_483] {strides = array<i32>} : memref<2048xf32, #tpu.memory_space<vmem>>, vector<16xf32>,
      %add3A_485 = arith.constant 80 : i32
      %add3A_486 = vector.broadcast %add3A_485 : i32 to vector<16xi32>
      %add3A_487 = arith.addi %shift_right_logical3A_170, %add3A_486 : vector<16xi32>
      tpu.vector_store_idx %arg7[%broadcast_in_dim3A, %add3A_487, %and3A_173], %get3A_484 : memref<2x128x2xf32, #tpu.memory_space<vmem>>[vector<16xi32>, vector<16xi32>, vector<16xi32>], vector<16xf32>,
      %mul3A_488 = arith.constant 2 : i32
      %mul3A_489 = arith.muli %scan3A_363, %mul3A_488 : i32
      %mul3A_490 = arith.constant 128 : i32
      %mul3A_491 = arith.muli %mul3A_489, %mul3A_490 : i32
      %add3A_492 = arith.constant 176 : i32
      %add3A_493 = arith.addi %mul3A_491, %add3A_492 : i32
      %get3A_494 = arith.index_cast %add3A_493 : i32 to index
      %get3A_495 = tpu.vector_load %arg6[%get3A_494] {strides = array<i32>} : memref<2048xf32, #tpu.memory_space<vmem>>, vector<16xf32>,
      %add3A_496 = arith.constant 88 : i32
      %add3A_497 = vector.broadcast %add3A_496 : i32 to vector<16xi32>
      %add3A_498 = arith.addi %shift_right_logical3A_170, %add3A_497 : vector<16xi32>
      tpu.vector_store_idx %arg7[%broadcast_in_dim3A, %add3A_498, %and3A_173], %get3A_495 : memref<2x128x2xf32, #tpu.memory_space<vmem>>[vector<16xi32>, vector<16xi32>, vector<16xi32>], vector<16xf32>,
      %mul3A_499 = arith.constant 2 : i32
      %mul3A_500 = arith.muli %scan3A_363, %mul3A_499 : i32
      %mul3A_501 = arith.constant 128 : i32
      %mul3A_502 = arith.muli %mul3A_500, %mul3A_501 : i32
      %add3A_503 = arith.constant 192 : i32
      %add3A_504 = arith.addi %mul3A_502, %add3A_503 : i32
      %get3A_505 = arith.index_cast %add3A_504 : i32 to index
      %get3A_506 = tpu.vector_load %arg6[%get3A_505] {strides = array<i32>} : memref<2048xf32, #tpu.memory_space<vmem>>, vector<16xf32>,
      %add3A_507 = arith.constant 96 : i32
      %add3A_508 = vector.broadcast %add3A_507 : i32 to vector<16xi32>
      %add3A_509 = arith.addi %shift_right_logical3A_170, %add3A_508 : vector<16xi32>
      tpu.vector_store_idx %arg7[%broadcast_in_dim3A, %add3A_509, %and3A_173], %get3A_506 : memref<2x128x2xf32, #tpu.memory_space<vmem>>[vector<16xi32>, vector<16xi32>, vector<16xi32>], vector<16xf32>,
      %mul3A_510 = arith.constant 2 : i32
      %mul3A_511 = arith.muli %scan3A_363, %mul3A_510 : i32
      %mul3A_512 = arith.constant 128 : i32
      %mul3A_513 = arith.muli %mul3A_511, %mul3A_512 : i32
      %add3A_514 = arith.constant 208 : i32
      %add3A_515 = arith.addi %mul3A_513, %add3A_514 : i32
      %get3A_516 = arith.index_cast %add3A_515 : i32 to index
      %get3A_517 = tpu.vector_load %arg6[%get3A_516] {strides = array<i32>} : memref<2048xf32, #tpu.memory_space<vmem>>, vector<16xf32>,
      %add3A_518 = arith.constant 104 : i32
      %add3A_519 = vector.broadcast %add3A_518 : i32 to vector<16xi32>
      %add3A_520 = arith.addi %shift_right_logical3A_170, %add3A_519 : vector<16xi32>
      tpu.vector_store_idx %arg7[%broadcast_in_dim3A, %add3A_520, %and3A_173], %get3A_517 : memref<2x128x2xf32, #tpu.memory_space<vmem>>[vector<16xi32>, vector<16xi32>, vector<16xi32>], vector<16xf32>,
      %mul3A_521 = arith.constant 2 : i32
      %mul3A_522 = arith.muli %scan3A_363, %mul3A_521 : i32
      %mul3A_523 = arith.constant 128 : i32
      %mul3A_524 = arith.muli %mul3A_522, %mul3A_523 : i32
      %add3A_525 = arith.constant 224 : i32
      %add3A_526 = arith.addi %mul3A_524, %add3A_525 : i32
      %get3A_527 = arith.index_cast %add3A_526 : i32 to index
      %get3A_528 = tpu.vector_load %arg6[%get3A_527] {strides = array<i32>} : memref<2048xf32, #tpu.memory_space<vmem>>, vector<16xf32>,
      %add3A_529 = arith.constant 112 : i32
      %add3A_530 = vector.broadcast %add3A_529 : i32 to vector<16xi32>
      %add3A_531 = arith.addi %shift_right_logical3A_170, %add3A_530 : vector<16xi32>
      tpu.vector_store_idx %arg7[%broadcast_in_dim3A, %add3A_531, %and3A_173], %get3A_528 : memref<2x128x2xf32, #tpu.memory_space<vmem>>[vector<16xi32>, vector<16xi32>, vector<16xi32>], vector<16xf32>,
      %mul3A_532 = arith.constant 2 : i32
      %mul3A_533 = arith.muli %scan3A_363, %mul3A_532 : i32
      %mul3A_534 = arith.constant 128 : i32
      %mul3A_535 = arith.muli %mul3A_533, %mul3A_534 : i32
      %add3A_536 = arith.constant 240 : i32
      %add3A_537 = arith.addi %mul3A_535, %add3A_536 : i32
      %get3A_538 = arith.index_cast %add3A_537 : i32 to index
      %get3A_539 = tpu.vector_load %arg6[%get3A_538] {strides = array<i32>} : memref<2048xf32, #tpu.memory_space<vmem>>, vector<16xf32>,
      %add3A_540 = arith.constant 120 : i32
      %add3A_541 = vector.broadcast %add3A_540 : i32 to vector<16xi32>
      %add3A_542 = arith.addi %shift_right_logical3A_170, %add3A_541 : vector<16xi32>
      tpu.vector_store_idx %arg7[%broadcast_in_dim3A, %add3A_542, %and3A_173], %get3A_539 : memref<2x128x2xf32, #tpu.memory_space<vmem>>[vector<16xi32>, vector<16xi32>, vector<16xi32>], vector<16xf32>,
      %mul3A_543 = arith.constant 128 : i32
      %mul3A_544 = arith.muli %scan3A_363, %mul3A_543 : i32
      %add3A_545 = arith.addi %add3A_178, %mul3A_544 : i32
      %dma_start3A_546 = arith.constant 0 : i32
      %dma_start3A_547 = arith.constant 0 : i32
      %dma_start3A_548 = tpu.memref_slice %arg7[%rem3A_365, %dma_start3A_546, %dma_start3A_547] : memref<2x128x2xf32, #tpu.memory_space<vmem>> -> memref<1x128x2xf32, #tpu.memory_space<vmem>>
      %dma_start3A_549 = tpu.memref_squeeze %dma_start3A_548 : memref<1x128x2xf32, #tpu.memory_space<vmem>> -> memref<128x2xf32, #tpu.memory_space<vmem>>
      %dma_start3A_550 = arith.constant 0 : i32
      %dma_start3A_551 = tpu.memref_slice %arg4[%select_n3A_54, %add3A_545, %dma_start3A_550] : memref<4x8192x2xf32, #tpu.memory_space<hbm>> -> memref<1x128x2xf32, #tpu.memory_space<hbm>>
      %dma_start3A_552 = tpu.memref_squeeze %dma_start3A_551 : memref<1x128x2xf32, #tpu.memory_space<hbm>> -> memref<128x2xf32, #tpu.memory_space<hbm>>
      %dma_start3A_553 = arith.constant 0 : i32
      %dma_start3A_554 = tpu.memref_slice %arg4[%select_n3A_54, %add3A_545, %dma_start3A_553] : memref<4x8192x2xf32, #tpu.memory_space<hbm>> -> memref<1x128x2xf32, #tpu.memory_space<hbm>>
      %dma_start3A_555 = tpu.memref_squeeze %dma_start3A_554 : memref<1x128x2xf32, #tpu.memory_space<hbm>> -> memref<128x2xf32, #tpu.memory_space<hbm>>
      %dma_start3A_556 = arith.constant 0 : i32
      %dma_start3A_557 = arith.constant 0 : i32
      %dma_start3A_558 = tpu.memref_slice %arg7[%rem3A_365, %dma_start3A_556, %dma_start3A_557] : memref<2x128x2xf32, #tpu.memory_space<vmem>> -> memref<1x128x2xf32, #tpu.memory_space<vmem>>
      %dma_start3A_559 = tpu.memref_squeeze %dma_start3A_558 : memref<1x128x2xf32, #tpu.memory_space<vmem>> -> memref<128x2xf32, #tpu.memory_space<vmem>>
      tpu.enqueue_dma source(%dma_start3A_559 : memref<128x2xf32, #tpu.memory_space<vmem>>) target(%dma_start3A_555 : memref<128x2xf32, #tpu.memory_space<hbm>>) target_semaphore(%arg12 : memref<!tpu.dma_semaphore, #tpu.memory_space<semaphore_mem>>)
    }
    %scan3A_328 = arith.constant 2 : i32
    %add3A_329 = arith.constant 768 : i32
    %add3A_330 = arith.addi %add3A_178, %add3A_329 : i32
    %dma_wait3A_331 = arith.constant 0 : i32
    %dma_wait3A_332 = arith.constant 0 : i32
    %dma_wait3A_333 = arith.constant 0 : i32
    %dma_wait3A_334 = tpu.memref_slice %arg7[%dma_wait3A_331, %dma_wait3A_332, %dma_wait3A_333] : memref<2x128x2xf32, #tpu.memory_space<vmem>> -> memref<1x128x2xf32, #tpu.memory_space<vmem>>
    %dma_wait3A_335 = tpu.memref_squeeze %dma_wait3A_334 : memref<1x128x2xf32, #tpu.memory_space<vmem>> -> memref<128x2xf32, #tpu.memory_space<vmem>>
    %dma_wait3A_336 = arith.constant 0 : i32
    %dma_wait3A_337 = tpu.memref_slice %arg4[%select_n3A_54, %add3A_330, %dma_wait3A_336] : memref<4x8192x2xf32, #tpu.memory_space<hbm>> -> memref<1x128x2xf32, #tpu.memory_space<hbm>>
    %dma_wait3A_338 = tpu.memref_squeeze %dma_wait3A_337 : memref<1x128x2xf32, #tpu.memory_space<hbm>> -> memref<128x2xf32, #tpu.memory_space<hbm>>
    %dma_wait3A_339 = arith.constant 0 : i32
    %dma_wait3A_340 = arith.constant 0 : i32
    %dma_wait3A_341 = tpu.memref_slice %arg7[%dma_wait3A_331, %dma_wait3A_339, %dma_wait3A_340] : memref<2x128x2xf32, #tpu.memory_space<vmem>> -> memref<1x128x2xf32, #tpu.memory_space<vmem>>
    %dma_wait3A_342 = tpu.memref_squeeze %dma_wait3A_341 : memref<1x128x2xf32, #tpu.memory_space<vmem>> -> memref<128x2xf32, #tpu.memory_space<vmem>>
    %dma_wait3A_343 = arith.constant 0 : i32
    %dma_wait3A_344 = tpu.memref_slice %arg4[%select_n3A_54, %add3A_330, %dma_wait3A_343] : memref<4x8192x2xf32, #tpu.memory_space<hbm>> -> memref<1x128x2xf32, #tpu.memory_space<hbm>>
    %dma_wait3A_345 = tpu.memref_squeeze %dma_wait3A_344 : memref<1x128x2xf32, #tpu.memory_space<hbm>> -> memref<128x2xf32, #tpu.memory_space<hbm>>
    tpu.wait_dma2 semaphore(%arg12 : memref<!tpu.dma_semaphore, #tpu.memory_space<semaphore_mem>>) src(%dma_wait3A_345 : memref<128x2xf32, #tpu.memory_space<hbm>>) dst(%dma_wait3A_342 : memref<128x2xf32, #tpu.memory_space<vmem>>)
    %add3A_346 = arith.constant 896 : i32
    %add3A_347 = arith.addi %add3A_178, %add3A_346 : i32
    %dma_wait3A_348 = arith.constant 1 : i32
    %dma_wait3A_349 = arith.constant 0 : i32
    %dma_wait3A_350 = arith.constant 0 : i32
    %dma_wait3A_351 = tpu.memref_slice %arg7[%dma_wait3A_348, %dma_wait3A_349, %dma_wait3A_350] : memref<2x128x2xf32, #tpu.memory_space<vmem>> -> memref<1x128x2xf32, #tpu.memory_space<vmem>>
    %dma_wait3A_352 = tpu.memref_squeeze %dma_wait3A_351 : memref<1x128x2xf32, #tpu.memory_space<vmem>> -> memref<128x2xf32, #tpu.memory_space<vmem>>
    %dma_wait3A_353 = arith.constant 0 : i32
    %dma_wait3A_354 = tpu.memref_slice %arg4[%select_n3A_54, %add3A_347, %dma_wait3A_353] : memref<4x8192x2xf32, #tpu.memory_space<hbm>> -> memref<1x128x2xf32, #tpu.memory_space<hbm>>
    %dma_wait3A_355 = tpu.memref_squeeze %dma_wait3A_354 : memref<1x128x2xf32, #tpu.memory_space<hbm>> -> memref<128x2xf32, #tpu.memory_space<hbm>>
    %dma_wait3A_356 = arith.constant 0 : i32
    %dma_wait3A_357 = arith.constant 0 : i32
    %dma_wait3A_358 = tpu.memref_slice %arg7[%dma_wait3A_348, %dma_wait3A_356, %dma_wait3A_357] : memref<2x128x2xf32, #tpu.memory_space<vmem>> -> memref<1x128x2xf32, #tpu.memory_space<vmem>>
    %dma_wait3A_359 = tpu.memref_squeeze %dma_wait3A_358 : memref<1x128x2xf32, #tpu.memory_space<vmem>> -> memref<128x2xf32, #tpu.memory_space<vmem>>
    %dma_wait3A_360 = arith.constant 0 : i32
    %dma_wait3A_361 = tpu.memref_slice %arg4[%select_n3A_54, %add3A_347, %dma_wait3A_360] : memref<4x8192x2xf32, #tpu.memory_space<hbm>> -> memref<1x128x2xf32, #tpu.memory_space<hbm>>
    %dma_wait3A_362 = tpu.memref_squeeze %dma_wait3A_361 : memref<1x128x2xf32, #tpu.memory_space<hbm>> -> memref<128x2xf32, #tpu.memory_space<hbm>>
    tpu.wait_dma2 semaphore(%arg12 : memref<!tpu.dma_semaphore, #tpu.memory_space<semaphore_mem>>) src(%dma_wait3A_362 : memref<128x2xf32, #tpu.memory_space<hbm>>) dst(%dma_wait3A_359 : memref<128x2xf32, #tpu.memory_space<vmem>>)
    return
  }
}

</mosaic_0001>

<sc_bundles>
// kernel: kernel.3.cloned.1.call-start
scs
__scs_entry_jumppad:
0x0: {  	(pc) =	sbr.rel $0x88, $3  }
0x1: {  	(tag) =	ssettag $0x0;
	lr =	simm.s32 $0x1  }
0x2: {  	[smem:$0x3F9E] =	sst lr;
	_ =	strace $0xD0000000  }
0x3: {  	_ = 	snop  }
0x4: {  	_ = 	snop  }
0x5: {  	_ = 	snop  }
0x6: {  	_ = 	snop  }
0x7: {  	_ = 	snop  }
__scs_overlays_trampoline_lowered:
0x8: {  	[smem:$0x3FAD] =	sst s0  }
0x9: {  	[smem:$0x3FAE] =	sst s1  }
0xa: {  	[smem:$0x3FAF] =	sst s2  }
0xb: {  	[smem:$0x3FB0] =	sst s3  }
0xc: {  	[smem:$0x3FB1] =	sst s4  }
0xd: {  	[smem:$0x3FB2] =	sst s5  }
0xe: {  	[smem:$0x3FB3] =	sst s6  }
0xf: {  	[smem:$0x3FB4] =	sst s7  }
0x10: {  	[smem:$0x3FB5] =	sst s8  }
0x11: {  	[smem:$0x3FB6] =	sst s9;
	s0 =	simm.s32 @!p0 $0x0  }
0x12: {  	s1 =	sld [smem:$0x3F9C];
	s0 =	simm.s32 @p0 $0x1  }
0x13: {  	[smem:$0x3FB7] =	sst s0;
	s0 =	simm.s32 @!p1 $0x0  }
0x14: {  	s2 =	sld [smem:$0x3F9B];
	s0 =	simm.s32 @p1 $0x1  }
0x15: {  	[smem:$0x3FB8] =	sst s0;
	s0 =	simm.s32 @!p2 $0x0  }
0x16: {  	s3 =	sld [smem:$0x3FDB];
	s0 =	simm.s32 @p2 $0x1  }
0x17: {  	s4 =	simm.s32 $0x1BF5;
	[smem:$0x3FBA] =	sst s0  }
0x18: {  	s0 =	sld [smem:$0x3F9D];
	_ =	swait.ge [sflag:s4], $0x0  }
0x19: {  	s7 =	sld [smem:$0x3F9E]  }
0x1a: {  	s8 =	sadd.s32 $0xFFFFE003, lr  }
0x1b: {  	s9 =	sadd.s32 $0xFFFFFEF7, lr;
	s5 =	simm.s32 $0xFFFFFFFF;
	p2 =	slt.u32 s8, $0xFFFFF086  }
0x1c: {  	p1 =	slt.u32 s9, $0xF7A;
	s5 =	simm.s32 @!p2 $0x0  }
0x1d: {  	s5 =	simm.s32 @p1 $0x1;
	p0 =	seq.s32 s7, s2  }
0x1e: {  	s7 =	smul.u32 @!p0 $0xF7A, s2;
	p2 =	seq.s32 @!p0 s5, $0x0  }
0x1f: {  	s9 =	smul.u32 $0xF7A, s1;
	s8 =	simm.s32 @!p0 $0x1BF5;
	p2 =	por !p2, p0  }
0x20: {  	[sflag:s8] =	ssyncset.s32 @!p0 $0xFFFFF086;
	s6 =	sadd.s32 @!p0 s3, s7;
	s7 =	simm.s32 @!p0 $0x108  }
0x21: {  	s3 =	sadd.s32 s3, s9;
	s6 =	sadd.s32 @!p0 $0x88, s6;
	s7 =	simm.s32 @p2 $0x1082  }
0x22: {  	[simem:s7], [sflag:s8] =	dma.local @!p0 [hbm:s6], $0xF7A  }
0x23: {  	s9 =	sor.u32 $0xD0000000, s2;
	s6 =	simm.s32 $0x108;
	_ =	swait.ge @!p0 [sflag:s8], $0x0  }
0x24: {  	s3 =	sadd.s32 $0x88, s3;
	s6 =	simm.s32 @!p1 $0x1082;
	[sflag:s4] =	ssyncset.s32 $0xFFFFF086  }
0x25: {  	[simem:s6], [sflag:s4] =	dma.local [hbm:s3], $0xF7A  }
0x26: {  	[smem:$0x3F9E] =	sst s1;
	(tag) =	ssettag s2;
	_ =	strace s9  }
0x27: {  	s1 =	sld [smem:$0x3FAE]  }
0x28: {  	s2 =	sld [smem:$0x3FAF]  }
0x29: {  	s4 =	sld [smem:$0x3FB1]  }
0x2a: {  	p0 =	seq.s32 s5, $0x0;
	s5 =	sld [smem:$0x3FB2]  }
0x2b: {  	s6 =	sld [smem:$0x3FB3]  }
0x2c: {  	s7 =	sld [smem:$0x3FB4]  }
0x2d: {  	s3 =	simm.s32 $0x108;
	s8 =	sld [smem:$0x3FB5]  }
0x2e: {  	s3 =	simm.s32 @!p0 $0x1082;
	s9 =	sld [smem:$0x3FB6]  }
0x2f: {  	lr =	sadd.s32 s0, s3;
	s0 =	sld [smem:$0x3FAD]  }
0x30: {  	s3 =	sld [smem:$0x3FB0]  }
0x31: {  	[smem:$0x3FB9] =	sst s10  }
0x32: {  	s10 =	sld [smem:$0x3FB7];
	_ =	sdelay $0x3  }
0x33: {  	p0 =	seq.s32 s10, $0x1;
	s10 =	sld [smem:$0x3FB9];
	_ =	sdelay $0x3  }
0x34: {  	[smem:$0x3FB9] =	sst s10  }
0x35: {  	s10 =	sld [smem:$0x3FB8];
	_ =	sdelay $0x3  }
0x36: {  	p1 =	seq.s32 s10, $0x1;
	s10 =	sld [smem:$0x3FB9];
	_ =	sdelay $0x3  }
0x37: {  	[smem:$0x3FB9] =	sst s10  }
0x38: {  	s10 =	sld [smem:$0x3FBA]  }
0x39: {  	_ = 	snop;
	(pc) =	sbr.ind lr, $3  }
0x3a: {  	_ = 	snop  }
0x3b: {  	_ = 	snop  }
0x3c: {  	p2 =	seq.s32 s10, $0x1;
	s10 =	sld [smem:$0x3FB9]  }
0x3d: {  	_ =	shalt  }
0x3e: {  	_ =	shalt  }
0x3f: {  	_ =	shalt  }
0x40: {  	_ =	shalt  }
0x41: {  	_ =	shalt  }
0x42: {  	_ =	shalt  }
0x43: {  	_ =	shalt  }
0x44: {  	_ =	shalt  }
0x45: {  	_ =	shalt  }
0x46: {  	_ =	shalt  }
0x47: {  	_ =	shalt  }
0x48: {  	_ =	shalt  }
0x49: {  	_ =	shalt  }
0x4a: {  	_ =	shalt  }
0x4b: {  	_ =	shalt  }
0x4c: {  	_ =	shalt  }
0x4d: {  	_ =	shalt  }
0x4e: {  	_ =	shalt  }
0x4f: {  	_ =	shalt  }
0x50: {  	_ =	shalt  }
0x51: {  	_ =	shalt  }
0x52: {  	_ =	shalt  }
0x53: {  	_ =	shalt  }
0x54: {  	_ =	shalt  }
0x55: {  	_ =	shalt  }
0x56: {  	_ =	shalt  }
0x57: {  	_ =	shalt  }
0x58: {  	_ =	shalt  }
0x59: {  	_ =	shalt  }
0x5a: {  	_ =	shalt  }
0x5b: {  	_ =	shalt  }
0x5c: {  	_ =	shalt  }
0x5d: {  	_ =	shalt  }
0x5e: {  	_ =	shalt  }
0x5f: {  	_ =	shalt  }
0x60: {  	_ =	shalt  }
0x61: {  	_ =	shalt  }
0x62: {  	_ =	shalt  }
0x63: {  	_ =	shalt  }
0x64: {  	_ =	shalt  }
0x65: {  	_ =	shalt  }
0x66: {  	_ =	shalt  }
0x67: {  	_ =	shalt  }
0x68: {  	_ =	shalt  }
0x69: {  	_ =	shalt  }
0x6a: {  	_ =	shalt  }
0x6b: {  	_ =	shalt  }
0x6c: {  	_ =	shalt  }
0x6d: {  	_ =	shalt  }
0x6e: {  	_ =	shalt  }
0x6f: {  	_ =	shalt  }
0x70: {  	_ =	shalt  }
0x71: {  	_ =	shalt  }
0x72: {  	_ =	shalt  }
0x73: {  	_ =	shalt  }
0x74: {  	_ =	shalt  }
0x75: {  	_ =	shalt  }
0x76: {  	_ =	shalt  }
0x77: {  	_ =	shalt  }
0x78: {  	_ =	shalt  }
0x79: {  	_ =	shalt  }
0x7a: {  	_ =	shalt  }
0x7b: {  	_ =	shalt  }
0x7c: {  	_ =	shalt  }
0x7d: {  	_ =	shalt  }
0x7e: {  	_ =	shalt  }
0x7f: {  	_ =	shalt  }
0x80: {  	_ =	shalt  }
0x81: {  	_ =	shalt  }
0x82: {  	_ =	shalt  }
0x83: {  	_ =	shalt  }
0x84: {  	_ =	shalt  }
0x85: {  	_ =	shalt  }
0x86: {  	_ =	shalt  }
0x87: {  	_ =	shalt  }
.Lfunc_end0:
.L_simem_size_0:
called_computation_lowered:
.L_overlay_start_0:
0x88: {  	s2 =	sld [smem:$0x3FD9]  }
0x89: {  	s3 =	sld [smem:$0x3FFE];
	_ =	sdelay $0x1  }
0x8a: {  	s1 =	srdreg.scid  }
0x8b: {  	s0 =	sand.u32 $0x1, s1  }
0x8c: {  	s17 =	sshll.u32 s0, $0xA;
	s2 =	sadd.s32 s3, s2  }
0x8d: {  	s2 =	sadd.s32 s2, s17  }
0x8e: {  	[smem:$0x3FC5] =	sst s2  }
0x8f: {  	_ = 	snop  }
0x90: {  	s2 =	sld [smem:$0x3FD0];
	(tm) =	ssettm $0x1  }
0x91: {  	s18 =	sld [smem:$0x3FFB];
	_ =	sdelay $0x3  }
0x92: {  	_ =	strace s18  }
0x93: {  	s3 =	sld [smem:$0x3FFC];
	_ =	sdelay $0x3  }
0x94: {  	_ =	strace s3  }
0x95: {  	s3 =	sld [smem:$0x3FFD];
	_ =	sdelay $0x3  }
0x96: {  	_ =	strace s3  }
0x97: {  	_ =	strace $0x8FFFFFFF  }
0x98: {  	s19 =	sld [smem:$0x3FDB];
	_ =	sdelay $0x1  }
0x99: {  	s4 =	simm.s32 $_scs_section_size  }
0x9a: {  	s5 =	simm.s32 $_size__tile_overlayer_lowered;
	s6 =	simm.s32 $_tile_overlayer_lowered  }
0x9b: {  	s22 =	simm.s32 $0x1BFF;
	s21 =	sshll.u32 s6, $0x1;
	s3 =	sadd.s32 s4, s19  }
0x9c: {  	s7 =	simm.s32 $0x0;
	s20 =	sshll.u32 s5, $0x1;
	s5 =	sadd.s32 s21, s3  }
0x9d: {  	[timem:s7], [sflag:s22] =	dma.local [hbm:s5], s20  }
0x9e: {  	_ =	swait.ge [sflag:s22], s20  }
0x9f: {  	s4 =	ssub.s32 $0x0, s20;
	[sflag:s22] =	ssyncset.done $0x0  }
0xa0: {  	[sflag:s22] =	ssyncadd.s32 s4;
	_ =	sdelay $0x1  }
0xa1: {  	s23 =	simm.s32 $0x1B8B  }
0xa2: {  	_ =	swait.ge [sflag:s23], $0x1  }
0xa3: {  	[sflag:s23] =	ssyncset.done $0x0  }
0xa4: {  	s25 =	simm.s32 $0x1B8E;
	s24 =	sld [smem:$0x3FFE];
	[sflag:s23] =	ssyncadd.s32 $0xFFFFFFFF  }
0xa5: {  	s26 =	simm.s32 $execute0_lowered;
	[smem:$0x3FD2] =	sst s25  }
0xa6: {  	s5 =	sshll.u32 s26, $0x1;
	_ =	strace $0x80000046;
	[dreg:$0x1] =	wrdreg $0xFFFFFFFF  }
0xa7: {  	s28 =	simm.s32 $_size_execute0_lowered;
	s3 =	sadd.s32 s3, s5;
	[dreg:$0x0] =	wrdreg $0x0  }
0xa8: {  	s5 =	sshll.u32 s28, $0x1;
	[dreg:$0x2] =	wrdreg s3  }
0xa9: {  	[dreg:$0x3] =	wrdreg s5  }
0xaa: {  	[dreg:$0x4] =	wrdreg $0xC0  }
0xab: {  	_ =	task [dreg:s7], $0x5FFFF  }
0xac: {  	[dreg:$0x1] =	wrdreg $0xFFFFFFFF  }
0xad: {  	[dreg:$0x0] =	wrdreg $0x60  }
0xae: {  	[dreg:$0x2] =	wrdreg s2  }
0xaf: {  	[dreg:$0x3] =	wrdreg s24  }
0xb0: {  	[dreg:$0x4] =	wrdreg $0x9  }
0xb1: {  	_ =	task.clear_ibuf [dreg:s7], $0x5FFFF;
	_ =	strace $0x90000046  }
0xb2: {  	s29 =	simm.s32 $0x9;
	_ =	strace $0x80000048  }
0xb3: {  	_ =	swait.ge [sflag:s29], $0x1  }
0xb4: {  	[sflag:s29] =	ssyncadd.s32 $0xFFFFFFFF  }
0xb5: {  	_ =	strace $0x90000048  }
0xb6: {  	_ =	sfence  }
0xb7: {  	s30 =	sld [smem:$0x0];
	_ =	sdelay $0x2  }
0xb8: {  	s31 =	sshll.u32 s1, $0xD;
	s1 =	sshrl.u32 s1, $0x2  }
0xb9: {  	s3 =	sand.u32 $0x4000, s31;
	s1 =	sadd.s32 s1, s30  }
0xba: {  	s0 =	sor.u32 s3, s0;
	s1 =	sshll.u32 s1, $0x11  }
0xbb: {  	s0 =	sor.u32 s1, s0  }
0xbc: {  	s0 =	sadd.s32 $0x8F2B, s0  }
0xbd: {  	[sflag:s0] =	ssyncadd.remote.s32 $0x1  }
0xbe: {  	_ =	sfence.sel $0xFFFF  }
0xbf: {  	[dreg:$0x0] =	wrdreg $0xFFFFFFFF;
	(pc) =	sbr.abs _section_cstart, $3  }
0xc0: {  	[dreg:$0x1] =	wrdreg $0xFFFFFFFF  }
0xc1: {  	_ =	task.clear_ibuf [dreg:s7], $0x2FFFF;
	_ =	strace $0x9FFFFFFF  }
0xc2: {  	(tm) =	ssettm $0x7FFFFFFF  }
0xc3: {  	_ =	shalt  }
tec
execute0_lowered:
.L_overlay_start_1:
0x0: {  	(tag) =	ssettag $0x1  }
0x1: {  	v0 =	vimm.s32 $0x81800100;
	v1 =	vimm.s32 $0x781  }
0x2: {  	vm14 =	vcmask $0x300;
	vm13 =	vcmask $0x704;
	vm12 =	vcmask $0xB08  }
0x3: {  	vm0 =	vcmask $0xF00;
	vm11 =	vcmask $0xF0C;
	vm10 =	vcmask $0x1310  }
0x4: {  	vm9 =	vcmask $0x1714;
	vm8 =	vcmask $0x1B18;
	vm7 =	vcmask $0x1F1C  }
0x5: {  	vm6 =	vcmask $0x2320;
	vm5 =	vcmask $0x2724;
	vm4 =	vcmask $0x2B28  }
0x6: {  	vm3 =	vcmask $0x2F2C;
	vm1 =	vcmask $0x3330;
	vm2 =	vcmask $0x3734  }
0x7: {  	vm15 =	vcmask $0x3B38;
	v2 =	vimm.s32 $0xB81;
	v3 =	vimm.s32 $0xF81  }
0x8: {  	v4 =	vimm.s32 $0x1381;
	v5 =	vimm.s32 $0x1781;
	v6 =	vimm.s32 $0x1B81  }
0x9: {  	v7 =	vimm.s32 $0x1F81;
	v8 =	vimm.s32 $0x2381;
	v9 =	vimm.s32 $0x2781  }
0xa: {  	v10 =	vimm.s32 $0x2B81;
	v11 =	vimm.s32 $0x2F81;
	v12 =	vimm.s32 $0x3381  }
0xb: {  	v13 =	vimm.s32 $0x3781;
	v14 =	vimm.s32 $0x3B81;
	v15 =	vimm.s32 $0x3F81  }
0xc: {  	v16 =	vimm.s32 $0x4381;
	v17 =	vimm.s32 $0x4781;
	v18 =	vimm.s32 $0x4B81  }
0xd: {  	v19 =	vimm.s32 $0x4F81;
	v20 =	vimm.s32 $0x5381;
	v21 =	vimm.s32 $0x5781  }
0xe: {  	v22 =	vimm.s32 $0x5B81;
	v23 =	vimm.s32 $0x5F81;
	v24 =	vimm.s32 $0x6381  }
0xf: {  	v25 =	vimm.s32 $0x6781;
	v26 =	vimm.s32 $0x6B81;
	v27 =	vimm.s32 $0x6F81  }
0x10: {  	v28 =	vimm.s32 $0x7381;
	v29 =	vimm.s32 $0x7781;
	v30 =	vimm.s32 $0x7B81  }
0x11: {  	v31 =	vimm.s32 $0x7F81;
	v0 =	vunpack.c.0.s8.s32 v0;
	v1 =	vsel vm14, $0x400, v1  }
0x12: {  	v2 =	vsel vm14, $0x800, v2;
	v3 =	vsel vm14, $0xC00, v3;
	v4 =	vsel vm14, $0x1000, v4  }
0x13: {  	v5 =	vsel vm14, $0x1400, v5;
	v6 =	vsel vm14, $0x1800, v6;
	v7 =	vsel vm14, $0x1C00, v7  }
0x14: {  	v8 =	vsel vm14, $0x2000, v8;
	v9 =	vsel vm14, $0x2400, v9;
	v10 =	vsel vm14, $0x2800, v10  }
0x15: {  	v11 =	vsel vm14, $0x2C00, v11;
	v12 =	vsel vm14, $0x3000, v12;
	v13 =	vsel vm14, $0x3400, v13  }
0x16: {  	v14 =	vsel vm14, $0x3800, v14;
	v15 =	vsel vm14, $0x3C00, v15;
	v16 =	vsel vm14, $0x4000, v16  }
0x17: {  	v17 =	vsel vm14, $0x4400, v17;
	v18 =	vsel vm14, $0x4800, v18;
	v19 =	vsel vm14, $0x4C00, v19  }
0x18: {  	v20 =	vsel vm14, $0x5000, v20;
	v21 =	vsel vm14, $0x5400, v21;
	v22 =	vsel vm14, $0x5800, v22  }
0x19: {  	v23 =	vsel vm14, $0x5C00, v23;
	v24 =	vsel vm14, $0x6000, v24;
	v25 =	vsel vm14, $0x6400, v25  }
0x1a: {  	v26 =	vsel vm14, $0x6800, v26;
	v27 =	vsel vm14, $0x6C00, v27;
	v28 =	vsel vm14, $0x7000, v28  }
0x1b: {  	v29 =	vsel vm14, $0x7400, v29;
	v30 =	vsel vm14, $0x7800, v30;
	v31 =	vsel vm14, $0x7C00, v31  }
0x1c: {  	v1 =	vsel vm13, $0x401, v1;
	v2 =	vsel vm13, $0x801, v2;
	v3 =	vsel vm13, $0xC01, v3  }
0x1d: {  	v4 =	vsel vm13, $0x1001, v4;
	v5 =	vsel vm13, $0x1401, v5;
	v6 =	vsel vm13, $0x1801, v6  }
0x1e: {  	v7 =	vsel vm13, $0x1C01, v7;
	v8 =	vsel vm13, $0x2001, v8;
	v9 =	vsel vm13, $0x2401, v9  }
0x1f: {  	v10 =	vsel vm13, $0x2801, v10;
	v11 =	vsel vm13, $0x2C01, v11;
	v12 =	vsel vm13, $0x3001, v12  }
0x20: {  	v13 =	vsel vm13, $0x3401, v13;
	v14 =	vsel vm13, $0x3801, v14;
	v15 =	vsel vm13, $0x3C01, v15  }
0x21: {  	v16 =	vsel vm13, $0x4001, v16;
	v17 =	vsel vm13, $0x4401, v17;
	v18 =	vsel vm13, $0x4801, v18  }
0x22: {  	v19 =	vsel vm13, $0x4C01, v19;
	v20 =	vsel vm13, $0x5001, v20;
	v21 =	vsel vm13, $0x5401, v21  }
0x23: {  	v22 =	vsel vm13, $0x5801, v22;
	v23 =	vsel vm13, $0x5C01, v23;
	v24 =	vsel vm13, $0x6001, v24  }
0x24: {  	v25 =	vsel vm13, $0x6401, v25;
	v26 =	vsel vm13, $0x6801, v26;
	v27 =	vsel vm13, $0x6C01, v27  }
0x25: {  	v28 =	vsel vm13, $0x7001, v28;
	v29 =	vsel vm13, $0x7401, v29;
	v30 =	vsel vm13, $0x7801, v30  }
0x26: {  	v31 =	vsel vm13, $0x7C01, v31;
	v0 =	vand.u32 $0xFF, v0;
	v1 =	vsel vm12, $0x480, v1  }
0x27: {  	v2 =	vsel vm12, $0x880, v2;
	v3 =	vsel vm12, $0xC80, v3;
	v4 =	vsel vm12, $0x1080, v4  }
0x28: {  	v5 =	vsel vm12, $0x1480, v5;
	v6 =	vsel vm12, $0x1880, v6;
	v7 =	vsel vm12, $0x1C80, v7  }
0x29: {  	v8 =	vsel vm12, $0x2080, v8;
	v9 =	vsel vm12, $0x2480, v9;
	v10 =	vsel vm12, $0x2880, v10  }
0x2a: {  	v11 =	vsel vm12, $0x2C80, v11;
	v12 =	vsel vm12, $0x3080, v12;
	v13 =	vsel vm12, $0x3480, v13  }
0x2b: {  	v14 =	vsel vm12, $0x3880, v14;
	v15 =	vsel vm12, $0x3C80, v15;
	v16 =	vsel vm12, $0x4080, v16  }
0x2c: {  	v17 =	vsel vm12, $0x4480, v17;
	v18 =	vsel vm12, $0x4880, v18;
	v19 =	vsel vm12, $0x4C80, v19  }
0x2d: {  	v20 =	vsel vm12, $0x5080, v20;
	v21 =	vsel vm12, $0x5480, v21;
	v22 =	vsel vm12, $0x5880, v22  }
0x2e: {  	v23 =	vsel vm12, $0x5C80, v23;
	v24 =	vsel vm12, $0x6080, v24;
	v25 =	vsel vm12, $0x6480, v25  }
0x2f: {  	v26 =	vsel vm12, $0x6880, v26;
	v27 =	vsel vm12, $0x6C80, v27;
	v28 =	vsel vm12, $0x7080, v28  }
0x30: {  	v29 =	vsel vm12, $0x7480, v29;
	v30 =	vsel vm12, $0x7880, v30;
	v31 =	vsel vm12, $0x7C80, v31  }
0x31: {  	v0 =	vnsel vm0, $0x381, v0;
	v1 =	vsel vm11, $0x481, v1;
	v2 =	vsel vm11, $0x881, v2  }
0x32: {  	v3 =	vsel vm11, $0xC81, v3;
	v4 =	vsel vm11, $0x1081, v4;
	v5 =	vsel vm11, $0x1481, v5  }
0x33: {  	v6 =	vsel vm11, $0x1881, v6;
	v7 =	vsel vm11, $0x1C81, v7;
	v8 =	vsel vm11, $0x2081, v8  }
0x34: {  	v9 =	vsel vm11, $0x2481, v9;
	v10 =	vsel vm11, $0x2881, v10;
	v11 =	vsel vm11, $0x2C81, v11  }
0x35: {  	v12 =	vsel vm11, $0x3081, v12;
	v13 =	vsel vm11, $0x3481, v13;
	v14 =	vsel vm11, $0x3881, v14  }
0x36: {  	v15 =	vsel vm11, $0x3C81, v15;
	v16 =	vsel vm11, $0x4081, v16;
	v17 =	vsel vm11, $0x4481, v17  }
0x37: {  	v18 =	vsel vm11, $0x4881, v18;
	v19 =	vsel vm11, $0x4C81, v19;
	v20 =	vsel vm11, $0x5081, v20  }
0x38: {  	v21 =	vsel vm11, $0x5481, v21;
	v22 =	vsel vm11, $0x5881, v22;
	v23 =	vsel vm11, $0x5C81, v23  }
0x39: {  	v24 =	vsel vm11, $0x6081, v24;
	v25 =	vsel vm11, $0x6481, v25;
	v26 =	vsel vm11, $0x6881, v26  }
0x3a: {  	v27 =	vsel vm11, $0x6C81, v27;
	v28 =	vsel vm11, $0x7081, v28;
	v29 =	vsel vm11, $0x7481, v29  }
0x3b: {  	v30 =	vsel vm11, $0x7881, v30;
	v31 =	vsel vm11, $0x7C81, v31;
	v0 =	vsel vm10, $0x100, v0  }
0x3c: {  	v1 =	vsel vm10, $0x500, v1;
	v2 =	vsel vm10, $0x900, v2;
	v3 =	vsel vm10, $0xD00, v3  }
0x3d: {  	v4 =	vsel vm10, $0x1100, v4;
	v5 =	vsel vm10, $0x1500, v5;
	v6 =	vsel vm10, $0x1900, v6  }
0x3e: {  	v7 =	vsel vm10, $0x1D00, v7;
	v8 =	vsel vm10, $0x2100, v8;
	v9 =	vsel vm10, $0x2500, v9  }
0x3f: {  	v10 =	vsel vm10, $0x2900, v10;
	v11 =	vsel vm10, $0x2D00, v11;
	v12 =	vsel vm10, $0x3100, v12  }
0x40: {  	v13 =	vsel vm10, $0x3500, v13;
	v14 =	vsel vm10, $0x3900, v14;
	v15 =	vsel vm10, $0x3D00, v15  }
0x41: {  	v16 =	vsel vm10, $0x4100, v16;
	v17 =	vsel vm10, $0x4500, v17;
	v18 =	vsel vm10, $0x4900, v18  }
0x42: {  	v19 =	vsel vm10, $0x4D00, v19;
	v20 =	vsel vm10, $0x5100, v20;
	v21 =	vsel vm10, $0x5500, v21  }
0x43: {  	v22 =	vsel vm10, $0x5900, v22;
	v23 =	vsel vm10, $0x5D00, v23;
	v24 =	vsel vm10, $0x6100, v24  }
0x44: {  	v25 =	vsel vm10, $0x6500, v25;
	v26 =	vsel vm10, $0x6900, v26;
	v27 =	vsel vm10, $0x6D00, v27  }
0x45: {  	v28 =	vsel vm10, $0x7100, v28;
	v29 =	vsel vm10, $0x7500, v29;
	v30 =	vsel vm10, $0x7900, v30  }
0x46: {  	v31 =	vsel vm10, $0x7D00, v31;
	v0 =	vsel vm9, $0x101, v0;
	v1 =	vsel vm9, $0x501, v1  }
0x47: {  	v2 =	vsel vm9, $0x901, v2;
	v3 =	vsel vm9, $0xD01, v3;
	v4 =	vsel vm9, $0x1101, v4  }
0x48: {  	v5 =	vsel vm9, $0x1501, v5;
	v6 =	vsel vm9, $0x1901, v6;
	v7 =	vsel vm9, $0x1D01, v7  }
0x49: {  	v8 =	vsel vm9, $0x2101, v8;
	v9 =	vsel vm9, $0x2501, v9;
	v10 =	vsel vm9, $0x2901, v10  }
0x4a: {  	v11 =	vsel vm9, $0x2D01, v11;
	v12 =	vsel vm9, $0x3101, v12;
	v13 =	vsel vm9, $0x3501, v13  }
0x4b: {  	v14 =	vsel vm9, $0x3901, v14;
	v15 =	vsel vm9, $0x3D01, v15;
	v16 =	vsel vm9, $0x4101, v16  }
0x4c: {  	v17 =	vsel vm9, $0x4501, v17;
	v18 =	vsel vm9, $0x4901, v18;
	v19 =	vsel vm9, $0x4D01, v19  }
0x4d: {  	v20 =	vsel vm9, $0x5101, v20;
	v21 =	vsel vm9, $0x5501, v21;
	v22 =	vsel vm9, $0x5901, v22  }
0x4e: {  	v23 =	vsel vm9, $0x5D01, v23;
	v24 =	vsel vm9, $0x6101, v24;
	v25 =	vsel vm9, $0x6501, v25  }
0x4f: {  	v26 =	vsel vm9, $0x6901, v26;
	v27 =	vsel vm9, $0x6D01, v27;
	v28 =	vsel vm9, $0x7101, v28  }
0x50: {  	v29 =	vsel vm9, $0x7501, v29;
	v30 =	vsel vm9, $0x7901, v30;
	v31 =	vsel vm9, $0x7D01, v31  }
0x51: {  	v0 =	vsel vm8, $0x180, v0;
	v1 =	vsel vm8, $0x580, v1;
	v2 =	vsel vm8, $0x980, v2  }
0x52: {  	v3 =	vsel vm8, $0xD80, v3;
	v4 =	vsel vm8, $0x1180, v4;
	v5 =	vsel vm8, $0x1580, v5  }
0x53: {  	v6 =	vsel vm8, $0x1980, v6;
	v7 =	vsel vm8, $0x1D80, v7;
	v8 =	vsel vm8, $0x2180, v8  }
0x54: {  	v9 =	vsel vm8, $0x2580, v9;
	v10 =	vsel vm8, $0x2980, v10;
	v11 =	vsel vm8, $0x2D80, v11  }
0x55: {  	v12 =	vsel vm8, $0x3180, v12;
	v13 =	vsel vm8, $0x3580, v13;
	v14 =	vsel vm8, $0x3980, v14  }
0x56: {  	v15 =	vsel vm8, $0x3D80, v15;
	v16 =	vsel vm8, $0x4180, v16;
	v17 =	vsel vm8, $0x4580, v17  }
0x57: {  	v18 =	vsel vm8, $0x4980, v18;
	v19 =	vsel vm8, $0x4D80, v19;
	v20 =	vsel vm8, $0x5180, v20  }
0x58: {  	v21 =	vsel vm8, $0x5580, v21;
	v22 =	vsel vm8, $0x5980, v22;
	v23 =	vsel vm8, $0x5D80, v23  }
0x59: {  	v24 =	vsel vm8, $0x6180, v24;
	v25 =	vsel vm8, $0x6580, v25;
	v26 =	vsel vm8, $0x6980, v26  }
0x5a: {  	v27 =	vsel vm8, $0x6D80, v27;
	v28 =	vsel vm8, $0x7180, v28;
	v29 =	vsel vm8, $0x7580, v29  }
0x5b: {  	v30 =	vsel vm8, $0x7980, v30;
	v31 =	vsel vm8, $0x7D80, v31;
	v0 =	vsel vm7, $0x181, v0  }
0x5c: {  	v1 =	vsel vm7, $0x581, v1;
	v2 =	vsel vm7, $0x981, v2;
	v3 =	vsel vm7, $0xD81, v3  }
0x5d: {  	v4 =	vsel vm7, $0x1181, v4;
	v5 =	vsel vm7, $0x1581, v5;
	v6 =	vsel vm7, $0x1981, v6  }
0x5e: {  	v7 =	vsel vm7, $0x1D81, v7;
	v8 =	vsel vm7, $0x2181, v8;
	v9 =	vsel vm7, $0x2581, v9  }
0x5f: {  	v10 =	vsel vm7, $0x2981, v10;
	v11 =	vsel vm7, $0x2D81, v11;
	v12 =	vsel vm7, $0x3181, v12  }
0x60: {  	v13 =	vsel vm7, $0x3581, v13;
	v14 =	vsel vm7, $0x3981, v14;
	v15 =	vsel vm7, $0x3D81, v15  }
0x61: {  	v16 =	vsel vm7, $0x4181, v16;
	v17 =	vsel vm7, $0x4581, v17;
	v18 =	vsel vm7, $0x4981, v18  }
0x62: {  	v19 =	vsel vm7, $0x4D81, v19;
	v20 =	vsel vm7, $0x5181, v20;
	v21 =	vsel vm7, $0x5581, v21  }
0x63: {  	v22 =	vsel vm7, $0x5981, v22;
	v23 =	vsel vm7, $0x5D81, v23;
	v24 =	vsel vm7, $0x6181, v24  }
0x64: {  	v25 =	vsel vm7, $0x6581, v25;
	v26 =	vsel vm7, $0x6981, v26;
	v27 =	vsel vm7, $0x6D81, v27  }
0x65: {  	v28 =	vsel vm7, $0x7181, v28;
	v29 =	vsel vm7, $0x7581, v29;
	v30 =	vsel vm7, $0x7981, v30  }
0x66: {  	v31 =	vsel vm7, $0x7D81, v31;
	v0 =	vsel vm6, $0x200, v0;
	v1 =	vsel vm6, $0x600, v1  }
0x67: {  	v2 =	vsel vm6, $0xA00, v2;
	v3 =	vsel vm6, $0xE00, v3;
	v4 =	vsel vm6, $0x1200, v4  }
0x68: {  	v5 =	vsel vm6, $0x1600, v5;
	v6 =	vsel vm6, $0x1A00, v6;
	v7 =	vsel vm6, $0x1E00, v7  }
0x69: {  	v8 =	vsel vm6, $0x2200, v8;
	v9 =	vsel vm6, $0x2600, v9;
	v10 =	vsel vm6, $0x2A00, v10  }
0x6a: {  	v11 =	vsel vm6, $0x2E00, v11;
	v12 =	vsel vm6, $0x3200, v12;
	v13 =	vsel vm6, $0x3600, v13  }
0x6b: {  	v14 =	vsel vm6, $0x3A00, v14;
	v15 =	vsel vm6, $0x3E00, v15;
	v16 =	vsel vm6, $0x4200, v16  }
0x6c: {  	v17 =	vsel vm6, $0x4600, v17;
	v18 =	vsel vm6, $0x4A00, v18;
	v19 =	vsel vm6, $0x4E00, v19  }
0x6d: {  	v20 =	vsel vm6, $0x5200, v20;
	v21 =	vsel vm6, $0x5600, v21;
	v22 =	vsel vm6, $0x5A00, v22  }
0x6e: {  	v23 =	vsel vm6, $0x5E00, v23;
	v24 =	vsel vm6, $0x6200, v24;
	v25 =	vsel vm6, $0x6600, v25  }
0x6f: {  	v26 =	vsel vm6, $0x6A00, v26;
	v27 =	vsel vm6, $0x6E00, v27;
	v28 =	vsel vm6, $0x7200, v28  }
0x70: {  	v29 =	vsel vm6, $0x7600, v29;
	v30 =	vsel vm6, $0x7A00, v30;
	v31 =	vsel vm6, $0x7E00, v31  }
0x71: {  	v0 =	vsel vm5, $0x201, v0;
	v1 =	vsel vm5, $0x601, v1;
	v2 =	vsel vm5, $0xA01, v2  }
0x72: {  	v3 =	vsel vm5, $0xE01, v3;
	v4 =	vsel vm5, $0x1201, v4;
	v5 =	vsel vm5, $0x1601, v5  }
0x73: {  	v6 =	vsel vm5, $0x1A01, v6;
	v7 =	vsel vm5, $0x1E01, v7;
	v8 =	vsel vm5, $0x2201, v8  }
0x74: {  	v9 =	vsel vm5, $0x2601, v9;
	v10 =	vsel vm5, $0x2A01, v10;
	v11 =	vsel vm5, $0x2E01, v11  }
0x75: {  	v12 =	vsel vm5, $0x3201, v12;
	v13 =	vsel vm5, $0x3601, v13;
	v14 =	vsel vm5, $0x3A01, v14  }
0x76: {  	v15 =	vsel vm5, $0x3E01, v15;
	v16 =	vsel vm5, $0x4201, v16;
	v17 =	vsel vm5, $0x4601, v17  }
0x77: {  	v18 =	vsel vm5, $0x4A01, v18;
	v19 =	vsel vm5, $0x4E01, v19;
	v20 =	vsel vm5, $0x5201, v20  }
0x78: {  	v21 =	vsel vm5, $0x5601, v21;
	v22 =	vsel vm5, $0x5A01, v22;
	v23 =	vsel vm5, $0x5E01, v23  }
0x79: {  	v24 =	vsel vm5, $0x6201, v24;
	v25 =	vsel vm5, $0x6601, v25;
	v26 =	vsel vm5, $0x6A01, v26  }
0x7a: {  	v27 =	vsel vm5, $0x6E01, v27;
	v28 =	vsel vm5, $0x7201, v28;
	v29 =	vsel vm5, $0x7601, v29  }
0x7b: {  	v30 =	vsel vm5, $0x7A01, v30;
	v31 =	vsel vm5, $0x7E01, v31;
	v0 =	vsel vm4, $0x280, v0  }
0x7c: {  	v1 =	vsel vm4, $0x680, v1;
	v2 =	vsel vm4, $0xA80, v2;
	v3 =	vsel vm4, $0xE80, v3  }
0x7d: {  	v4 =	vsel vm4, $0x1280, v4;
	v5 =	vsel vm4, $0x1680, v5;
	v6 =	vsel vm4, $0x1A80, v6  }
0x7e: {  	v7 =	vsel vm4, $0x1E80, v7;
	v8 =	vsel vm4, $0x2280, v8;
	v9 =	vsel vm4, $0x2680, v9  }
0x7f: {  	v10 =	vsel vm4, $0x2A80, v10;
	v11 =	vsel vm4, $0x2E80, v11;
	v12 =	vsel vm4, $0x3280, v12  }
0x80: {  	v13 =	vsel vm4, $0x3680, v13;
	v14 =	vsel vm4, $0x3A80, v14;
	v15 =	vsel vm4, $0x3E80, v15  }
0x81: {  	v16 =	vsel vm4, $0x4280, v16;
	v17 =	vsel vm4, $0x4680, v17;
	v18 =	vsel vm4, $0x4A80, v18  }
0x82: {  	v19 =	vsel vm4, $0x4E80, v19;
	v20 =	vsel vm4, $0x5280, v20;
	v21 =	vsel vm4, $0x5680, v21  }
0x83: {  	v22 =	vsel vm4, $0x5A80, v22;
	v23 =	vsel vm4, $0x5E80, v23;
	v24 =	vsel vm4, $0x6280, v24  }
0x84: {  	v25 =	vsel vm4, $0x6680, v25;
	v26 =	vsel vm4, $0x6A80, v26;
	v27 =	vsel vm4, $0x6E80, v27  }
0x85: {  	v28 =	vsel vm4, $0x7280, v28;
	v29 =	vsel vm4, $0x7680, v29;
	v30 =	vsel vm4, $0x7A80, v30  }
0x86: {  	v31 =	vsel vm4, $0x7E80, v31;
	v0 =	vsel vm3, $0x281, v0;
	v1 =	vsel vm3, $0x681, v1  }
0x87: {  	v2 =	vsel vm3, $0xA81, v2;
	v3 =	vsel vm3, $0xE81, v3;
	v4 =	vsel vm3, $0x1281, v4  }
0x88: {  	v5 =	vsel vm3, $0x1681, v5;
	v6 =	vsel vm3, $0x1A81, v6;
	v7 =	vsel vm3, $0x1E81, v7  }
0x89: {  	v8 =	vsel vm3, $0x2281, v8;
	v9 =	vsel vm3, $0x2681, v9;
	v10 =	vsel vm3, $0x2A81, v10  }
0x8a: {  	v11 =	vsel vm3, $0x2E81, v11;
	v12 =	vsel vm3, $0x3281, v12;
	v13 =	vsel vm3, $0x3681, v13  }
0x8b: {  	v14 =	vsel vm3, $0x3A81, v14;
	v15 =	vsel vm3, $0x3E81, v15;
	v16 =	vsel vm3, $0x4281, v16  }
0x8c: {  	v17 =	vsel vm3, $0x4681, v17;
	v18 =	vsel vm3, $0x4A81, v18;
	v19 =	vsel vm3, $0x4E81, v19  }
0x8d: {  	v20 =	vsel vm3, $0x5281, v20;
	v21 =	vsel vm3, $0x5681, v21;
	v22 =	vsel vm3, $0x5A81, v22  }
0x8e: {  	v23 =	vsel vm3, $0x5E81, v23;
	v24 =	vsel vm3, $0x6281, v24;
	v25 =	vsel vm3, $0x6681, v25  }
0x8f: {  	s3 =	rddreg [dreg:$0x0];
	v26 =	vsel vm3, $0x6A81, v26;
	v27 =	vsel vm3, $0x6E81, v27;
	v28 =	vsel vm3, $0x7281, v28  }
0x90: {  	s0 =	rddreg [dreg:$0x1];
	v29 =	vsel vm3, $0x7681, v29;
	v30 =	vsel vm3, $0x7A81, v30;
	v31 =	vsel vm3, $0x7E81, v31  }
0x91: {  	s1 =	stileid.u32;
	s2 =	simm.s32 $0x0;
	s4 =	srdreg.scid;
	v0 =	vsel vm1, $0x300, v0;
	v1 =	vsel vm1, $0x700, v1;
	v2 =	vsel vm1, $0xB00, v2  }
0x92: {  	s13 =	simm.s32 $0x800;
	s14 =	simm.s32 $0x880;
	s15 =	simm.s32 $0x100;
	v3 =	vsel vm1, $0xF00, v3;
	v4 =	vsel vm1, $0x1300, v4;
	v5 =	vsel vm1, $0x1700, v5  }
0x93: {  	s16 =	simm.s32 $0x900;
	s17 =	simm.s32 $0x180;
	[smem:$0x7FF] =	sst s2;
	v6 =	vsel vm1, $0x1B00, v6;
	v7 =	vsel vm1, $0x1F00, v7;
	v8 =	vsel vm1, $0x2300, v8  }
0x94: {  	s18 =	simm.s32 $0x980;
	_ =	strace $0x80000047;
	[dreg:$0xc] =	wrdreg s13;
	v9 =	vsel vm1, $0x2700, v9;
	v10 =	vsel vm1, $0x2B00, v10;
	v11 =	vsel vm1, $0x2F00, v11  }
0x95: {  	s19 =	simm.s32 $0x200;
	s21 =	simm.s32 $0xA00;
	[dreg:$0xd] =	wrdreg s14;
	v12 =	vsel vm1, $0x3300, v12;
	v13 =	vsel vm1, $0x3700, v13;
	v14 =	vsel vm1, $0x3B00, v14  }
0x96: {  	s22 =	simm.s32 $0x280;
	s23 =	simm.s32 $0xA80;
	[dreg:$0xe] =	wrdreg s15;
	v15 =	vsel vm1, $0x3F00, v15;
	v16 =	vsel vm1, $0x4300, v16;
	v17 =	vsel vm1, $0x4700, v17  }
0x97: {  	s28 =	simm.s32 $0x5000;
	s29 =	simm.s32 $0x2;
	[dreg:$0xf] =	wrdreg s16;
	v18 =	vsel vm1, $0x4B00, v18;
	v19 =	vsel vm1, $0x4F00, v19;
	v20 =	vsel vm1, $0x5300, v20  }
0x98: {  	s30 =	simm.s32 $0x5;
	s31 =	simm.s32 $0x3;
	[dreg:$0x10] =	wrdreg s17;
	v21 =	vsel vm1, $0x5700, v21;
	v22 =	vsel vm1, $0x5B00, v22;
	v23 =	vsel vm1, $0x5F00, v23  }
0x99: {  	s6 =	sshll.u32 s1, $0x1;
	s5 =	sand.u32 $0x1, s4;
	[dreg:$0x11] =	wrdreg s18;
	v24 =	vsel vm1, $0x6300, v24;
	v25 =	vsel vm1, $0x6700, v25;
	v26 =	vsel vm1, $0x6B00, v26  }
0x9a: {  	s25 =	sshrl.u32 s1, $0x1;
	s7 =	sshrl.u32 s1, $0x3;
	[dreg:$0x12] =	wrdreg s19;
	v27 =	vsel vm1, $0x6F00, v27;
	v28 =	vsel vm1, $0x7300, v28;
	v29 =	vsel vm1, $0x7700, v29  }
0x9b: {  	s24 =	sand.u32 $0x2, s6;
	s6 =	sand.u32 $0x3, s25;
	[dreg:$0x13] =	wrdreg s21;
	v30 =	vsel vm1, $0x7B00, v30;
	v31 =	vsel vm1, $0x7F00, v31;
	v0 =	vsel vm2, $0x301, v0  }
0x9c: {  	s8 =	sshll.u32 s7, $0x6;
	s7 =	sshll.u32 s7, $0x10;
	[dreg:$0x14] =	wrdreg s22;
	v1 =	vsel vm2, $0x701, v1;
	v2 =	vsel vm2, $0xB01, v2;
	v3 =	vsel vm2, $0xF01, v3  }
0x9d: {  	[dreg:$0x15] =	wrdreg s23;
	s25 =	simm.s32 $0xB00;
	s13 =	simm.s32 $0x500;
	v4 =	vsel vm2, $0x1301, v4;
	v5 =	vsel vm2, $0x1701, v5;
	v6 =	vsel vm2, $0x1B01, v6  }
0x9e: {  	s14 =	simm.s32 $0xD00;
	s15 =	simm.s32 $0x580;
	s16 =	simm.s32 $0xD80;
	v7 =	vsel vm2, $0x1F01, v7;
	v8 =	vsel vm2, $0x2301, v8;
	v9 =	vsel vm2, $0x2701, v9  }
0x9f: {  	s17 =	simm.s32 $0x600;
	s18 =	simm.s32 $0xE00;
	s19 =	simm.s32 $0x680;
	v10 =	vsel vm2, $0x2B01, v10;
	v11 =	vsel vm2, $0x2F01, v11;
	v12 =	vsel vm2, $0x3301, v12  }
0xa0: {  	s21 =	simm.s32 $0x700;
	s22 =	simm.s32 $0xF00;
	s23 =	simm.s32 $0x780;
	v13 =	vsel vm2, $0x3701, v13;
	v14 =	vsel vm2, $0x3B01, v14;
	v15 =	vsel vm2, $0x3F01, v15  }
0xa1: {  	s4 =	sor.u32 s5, s24;
	s10 =	sshll.u32 s6, $0x11;
	s6 =	sshll.u32 s6, $0xB;
	v16 =	vsel vm2, $0x4301, v16;
	v17 =	vsel vm2, $0x4701, v17;
	v18 =	vsel vm2, $0x4B01, v18  }
0xa2: {  	s5 =	ssub.s32 $0x2, s5;
	s24 =	simm.s32 $0x300;
	[dreg:$0x17] =	wrdreg s25;
	v19 =	vsel vm2, $0x4F01, v19;
	v20 =	vsel vm2, $0x5301, v20;
	v21 =	vsel vm2, $0x5701, v21  }
0xa3: {  	s25 =	simm.s32 $0x1;
	s9 =	sshll.u32 s4, $0x4;
	s4 =	sshll.u32 s4, $0xE;
	v22 =	vsel vm2, $0x5B01, v22;
	v23 =	vsel vm2, $0x5F01, v23;
	v24 =	vsel vm2, $0x6301, v24  }
0xa4: {  	s26 =	sadd.s32 s10, s0;
	s20 =	sshrl.u32 s5, $0x1;
	s4 =	sor.u32 s7, s4;
	v25 =	vsel vm2, $0x6701, v25;
	v26 =	vsel vm2, $0x6B01, v26;
	v27 =	vsel vm2, $0x6F01, v27  }
0xa5: {  	[dreg:$0x16] =	wrdreg s24;
	s4 =	sadd.s32 s4, s26;
	s26 =	simm.s32 $0x380;
	v28 =	vsel vm2, $0x7301, v28;
	v29 =	vsel vm2, $0x7701, v29;
	v30 =	vsel vm2, $0x7B01, v30  }
0xa6: {  	s24 =	simm.s32 $0xF80;
	s1 =	sadd.s32 $0x20800, s4;
	[dreg:$0x18] =	wrdreg s26;
	v31 =	vsel vm2, $0x7F01, v31;
	v0 =	vsel vm15, $0x380, v0;
	v1 =	vsel vm15, $0x780, v1  }
0xa7: {  	s8 =	sor.u32 s8, s9;
	s7 =	sadd.s32 $0x21000, s4;
	[dreg:$0x4] =	wrdreg s1;
	v2 =	vsel vm15, $0xB80, v2;
	v3 =	vsel vm15, $0xF80, v3;
	v4 =	vsel vm15, $0x1380, v4  }
0xa8: {  	s6 =	sor.u32 s6, s8;
	s8 =	sadd.s32 $0x21800, s4;
	[dreg:$0x5] =	wrdreg s7;
	v5 =	vsel vm15, $0x1780, v5;
	v6 =	vsel vm15, $0x1B80, v6;
	v7 =	vsel vm15, $0x1F80, v7  }
0xa9: {  	s5 =	ssub.s32 s5, s20;
	s9 =	sadd.s32 $0x22000, s4;
	[dreg:$0x6] =	wrdreg s8;
	v8 =	vsel vm15, $0x2380, v8;
	v9 =	vsel vm15, $0x2780, v9;
	v10 =	vsel vm15, $0x2B80, v10  }
0xaa: {  	s20 =	simm.s32 $0xE80;
	s10 =	sadd.s32 $0x22800, s4;
	[dreg:$0x7] =	wrdreg s9;
	v11 =	vsel vm15, $0x2F80, v11;
	v12 =	vsel vm15, $0x3380, v12;
	v13 =	vsel vm15, $0x3780, v13  }
0xab: {  	s5 =	smax.u32 s5, $0x1;
	s11 =	sadd.s32 $0x23000, s4;
	[dreg:$0x8] =	wrdreg s10;
	v14 =	vsel vm15, $0x3B80, v14;
	v15 =	vsel vm15, $0x3F80, v15;
	v16 =	vsel vm15, $0x4380, v16  }
0xac: {  	s3 =	sadd.s32 s3, s6;
	s12 =	sadd.s32 $0x23800, s4;
	[dreg:$0x9] =	wrdreg s11;
	v17 =	vsel vm15, $0x4780, v17;
	v18 =	vsel vm15, $0x4B80, v18;
	v19 =	vsel vm15, $0x4F80, v19  }
0xad: {  	s4 =	sadd.s32 $0x24000, s4;
	s26 =	simm.s32 $0x1000;
	[dreg:$0xa] =	wrdreg s12;
	v20 =	vsel vm15, $0x5380, v20;
	v21 =	vsel vm15, $0x5780, v21;
	v22 =	vsel vm15, $0x5B80, v22  }
0xae: {  	s6 =	sadd.s32 $0x400, s3;
	[dreg:$0xb] =	wrdreg s4;
	s4 =	sadd.s32 $0x800, s0;
	v23 =	vsel vm15, $0x5F80, v23;
	v24 =	vsel vm15, $0x6380, v24;
	v25 =	vsel vm15, $0x6780, v25  }
0xaf: {  	s7 =	simm.s32 $0x400;
	s8 =	simm.s32 $0x6;
	s12 =	simm.s32 $0xC80;
	v26 =	vsel vm15, $0x6B80, v26;
	v27 =	vsel vm15, $0x6F80, v27;
	v28 =	vsel vm15, $0x7380, v28  }
0xb0: {  	s0 =	simm.s32 $0x4;
	[dreg:$0x3] =	wrdreg s6;
	s6 =	simm.s32 $0x80;
	v29 =	vsel vm15, $0x7780, v29;
	v30 =	vsel vm15, $0x7B80, v30;
	v31 =	vsel vm15, $0x7F80, v31  }
.LBB2_1:
0xb1: {  	[tilespmem:s2], [sflag:$0x6] =	stream.strided.gather [hbm4b:s3+s6], $0x400, s7, s6, $0x38;
	[tilespmem:$0x9000] =	vst v63  }
0xb2: {  	_ =	swait.ge [sflag:s8], $0x400  }
0xb3: {  	s1 =	rddreg [dreg:$0xc]  }
0xb4: {  	s11 =	rddreg [dreg:$0xd]  }
0xb5: {  	[sflag:s8] =	ssyncset.done $0x0;
	s9 =	rddreg [dreg:$0xe]  }
0xb6: {  	s10 =	rddreg [dreg:$0xf];
	[sflag:s8] =	ssyncadd.s32 $0xFFFFFC00  }
0xb7: {  	[tilespmem:s1], [sflag:$0x1] =	stream.indirect.gather [hbm4b:s4+s6], $0x1, s2, s6, $0xb8;
	[tilespmem:$0x9000] =	vst v63  }
0xb8: {  	s1 =	rddreg [dreg:$0x10]  }
0xb9: {  	[tilespmem:s11], [sflag:$0x1] =	stream.indirect.gather [hbm4b:s4+s6], $0x1, s6, s6, $0xb8;
	[tilespmem:$0x9000] =	vst v63  }
0xba: {  	s11 =	rddreg [dreg:$0x13]  }
0xbb: {  	[tilespmem:s10], [sflag:$0x1] =	stream.indirect.gather [hbm4b:s4+s6], $0x1, s9, s6, $0xb8;
	[tilespmem:$0x9000] =	vst v63  }
0xbc: {  	s9 =	rddreg [dreg:$0x11]  }
0xbd: {  	s10 =	rddreg [dreg:$0x12]  }
0xbe: {  	[tilespmem:s9], [sflag:$0x1] =	stream.indirect.gather [hbm4b:s4+s6], $0x1, s1, s6, $0xb8;
	[tilespmem:$0x9000] =	vst v63  }
0xbf: {  	s1 =	rddreg [dreg:$0x14]  }
0xc0: {  	s9 =	rddreg [dreg:$0x15]  }
0xc1: {  	[tilespmem:s11], [sflag:$0x2] =	stream.indirect.gather [hbm4b:s4+s6], $0x1, s10, s6, $0xb8;
	[tilespmem:$0x9000] =	vst v63  }
0xc2: {  	s10 =	rddreg [dreg:$0x16]  }
0xc3: {  	[tilespmem:s9], [sflag:$0x2] =	stream.indirect.gather [hbm4b:s4+s6], $0x1, s1, s6, $0xb8;
	[tilespmem:$0x9000] =	vst v63  }
0xc4: {  	s11 =	rddreg [dreg:$0x17]  }
0xc5: {  	[tilespmem:s11], [sflag:$0x2] =	stream.indirect.gather [hbm4b:s4+s6], $0x1, s10, s6, $0xb8;
	[tilespmem:$0x9000] =	vst v63  }
0xc6: {  	s1 =	rddreg [dreg:$0x18];
	s11 =	simm.s32 $0xB80  }
0xc7: {  	[tilespmem:s11], [sflag:$0x2] =	stream.indirect.gather [hbm4b:s4+s6], $0x1, s1, s6, $0xb8;
	[tilespmem:$0x9000] =	vst v63  }
0xc8: {  	s9 =	rddreg [dreg:$0x3]  }
0xc9: {  	[tilespmem:s7], [sflag:$0x6] =	stream.strided.gather [hbm4b:s9+s6], $0x400, s7, s6, $0x38;
	[tilespmem:$0x9000] =	vst v63  }
0xca: {  	_ =	swait.ge [sflag:s8], $0x400  }
0xcb: {  	[sflag:s8] =	ssyncset.done $0x0  }
0xcc: {  	s11 =	simm.s32 $0xC00;
	[sflag:s8] =	ssyncadd.s32 $0xFFFFFC00  }
0xcd: {  	[tilespmem:s11], [sflag:$0x3] =	stream.indirect.gather [hbm4b:s4+s6], $0x1, s7, s6, $0xb8;
	[tilespmem:$0x9000] =	vst v63  }
0xce: {  	s9 =	simm.s32 $0x480  }
0xcf: {  	[tilespmem:s12], [sflag:$0x3] =	stream.indirect.gather [hbm4b:s4+s6], $0x1, s9, s6, $0xb8;
	[tilespmem:$0x9000] =	vst v63  }
0xd0: {  	_ = 	snop  }
0xd1: {  	[tilespmem:s14], [sflag:$0x3] =	stream.indirect.gather [hbm4b:s4+s6], $0x1, s13, s6, $0xb8;
	[tilespmem:$0x9000] =	vst v63  }
0xd2: {  	_ = 	snop  }
0xd3: {  	[tilespmem:s16], [sflag:$0x3] =	stream.indirect.gather [hbm4b:s4+s6], $0x1, s15, s6, $0xb8;
	[tilespmem:$0x9000] =	vst v63  }
0xd4: {  	_ = 	snop  }
0xd5: {  	[tilespmem:s18], [sflag:$0x4] =	stream.indirect.gather [hbm4b:s4+s6], $0x1, s17, s6, $0xb8;
	[tilespmem:$0x9000] =	vst v63  }
0xd6: {  	_ = 	snop  }
0xd7: {  	[tilespmem:s20], [sflag:$0x4] =	stream.indirect.gather [hbm4b:s4+s6], $0x1, s19, s6, $0xb8;
	[tilespmem:$0x9000] =	vst v63  }
0xd8: {  	_ = 	snop  }
0xd9: {  	[tilespmem:s22], [sflag:$0x4] =	stream.indirect.gather [hbm4b:s4+s6], $0x1, s21, s6, $0xb8;
	[tilespmem:$0x9000] =	vst v63  }
0xda: {  	_ = 	snop  }
0xdb: {  	[tilespmem:s24], [sflag:$0x4] =	stream.indirect.gather [hbm4b:s4+s6], $0x1, s23, s6, $0xb8;
	[tilespmem:$0x9000] =	vst v63  }
0xdc: {  	_ =	swait.ge [sflag:s25], $0x80  }
0xdd: {  	[sflag:s25] =	ssyncset.done $0x0  }
0xde: {  	[sflag:s25] =	ssyncadd.s32 $0xFFFFFF80  }
0xdf: {  	_ =	swait.ge [sflag:s25], $0x80  }
0xe0: {  	[sflag:s25] =	ssyncset.done $0x0  }
0xe1: {  	[sflag:s25] =	ssyncadd.s32 $0xFFFFFF80  }
0xe2: {  	_ =	swait.ge [sflag:s25], $0x80  }
0xe3: {  	[sflag:s25] =	ssyncset.done $0x0  }
0xe4: {  	[sflag:s25] =	ssyncadd.s32 $0xFFFFFF80  }
0xe5: {  	_ =	swait.ge [sflag:s25], $0x80  }
0xe6: {  	[sflag:s25] =	ssyncset.done $0x0  }
0xe7: {  	[sflag:s25] =	ssyncadd.s32 $0xFFFFFF80  }
0xe8: {  	v32 =	vld [tilespmem:$0x800];
	_ =	sdelay $0x4  }
0xe9: {  	[tilespmem:v0+s26+$0x0] =	vst.idx.msk $0xffff, v32  }
0xea: {  	v32 =	vld [tilespmem:$0x810];
	_ =	sdelay $0x4  }
0xeb: {  	[tilespmem:v1+s26+$0x0] =	vst.idx.msk $0xffff, v32  }
0xec: {  	v32 =	vld [tilespmem:$0x820];
	_ =	sdelay $0x4  }
0xed: {  	[tilespmem:v2+s26+$0x0] =	vst.idx.msk $0xffff, v32  }
0xee: {  	v32 =	vld [tilespmem:$0x830];
	_ =	sdelay $0x4  }
0xef: {  	[tilespmem:v3+s26+$0x0] =	vst.idx.msk $0xffff, v32  }
0xf0: {  	v32 =	vld [tilespmem:$0x840];
	_ =	sdelay $0x4  }
0xf1: {  	[tilespmem:v4+s26+$0x0] =	vst.idx.msk $0xffff, v32  }
0xf2: {  	v32 =	vld [tilespmem:$0x850];
	_ =	sdelay $0x4  }
0xf3: {  	[tilespmem:v5+s26+$0x0] =	vst.idx.msk $0xffff, v32  }
0xf4: {  	v32 =	vld [tilespmem:$0x860];
	_ =	sdelay $0x4  }
0xf5: {  	[tilespmem:v6+s26+$0x0] =	vst.idx.msk $0xffff, v32  }
0xf6: {  	v32 =	vld [tilespmem:$0x870];
	_ =	sdelay $0x4  }
0xf7: {  	[tilespmem:v7+s26+$0x0] =	vst.idx.msk $0xffff, v32  }
0xf8: {  	v32 =	vld [tilespmem:$0x880];
	_ =	sdelay $0x4  }
0xf9: {  	[tilespmem:v8+s26+$0x0] =	vst.idx.msk $0xffff, v32  }
0xfa: {  	v32 =	vld [tilespmem:$0x890];
	_ =	sdelay $0x4  }
0xfb: {  	[tilespmem:v9+s26+$0x0] =	vst.idx.msk $0xffff, v32  }
0xfc: {  	v32 =	vld [tilespmem:$0x8A0];
	_ =	sdelay $0x4  }
0xfd: {  	[tilespmem:v10+s26+$0x0] =	vst.idx.msk $0xffff, v32  }
0xfe: {  	v32 =	vld [tilespmem:$0x8B0];
	_ =	sdelay $0x4  }
0xff: {  	[tilespmem:v11+s26+$0x0] =	vst.idx.msk $0xffff, v32  }
0x100: {  	v32 =	vld [tilespmem:$0x8C0];
	_ =	sdelay $0x4  }
0x101: {  	[tilespmem:v12+s26+$0x0] =	vst.idx.msk $0xffff, v32  }
0x102: {  	v32 =	vld [tilespmem:$0x8D0];
	_ =	sdelay $0x4  }
0x103: {  	[tilespmem:v13+s26+$0x0] =	vst.idx.msk $0xffff, v32  }
0x104: {  	v32 =	vld [tilespmem:$0x8E0];
	_ =	sdelay $0x4  }
0x105: {  	[tilespmem:v14+s26+$0x0] =	vst.idx.msk $0xffff, v32  }
0x106: {  	v32 =	vld [tilespmem:$0x8F0];
	_ =	sdelay $0x4  }
0x107: {  	s10 =	rddreg [dreg:$0x4];
	[tilespmem:v15+s26+$0x0] =	vst.idx.msk $0xffff, v32  }
0x108: {  	[hbm4b:s10+s2] =	stream.linear.scatter [tilespmem:s26], [sflag:$0x5], $0x4000, $0x38;
	[tilespmem:$0x9000] =	vst v63  }
0x109: {  	v32 =	vld [tilespmem:$0x900];
	_ =	sdelay $0x4  }
0x10a: {  	[tilespmem:v16+s26+$0x0] =	vst.idx.msk $0xffff, v32  }
0x10b: {  	v32 =	vld [tilespmem:$0x910];
	_ =	sdelay $0x4  }
0x10c: {  	[tilespmem:v17+s26+$0x0] =	vst.idx.msk $0xffff, v32  }
0x10d: {  	v32 =	vld [tilespmem:$0x920];
	_ =	sdelay $0x4  }
0x10e: {  	[tilespmem:v18+s26+$0x0] =	vst.idx.msk $0xffff, v32  }
0x10f: {  	v32 =	vld [tilespmem:$0x930];
	_ =	sdelay $0x4  }
0x110: {  	[tilespmem:v19+s26+$0x0] =	vst.idx.msk $0xffff, v32  }
0x111: {  	v32 =	vld [tilespmem:$0x940];
	_ =	sdelay $0x4  }
0x112: {  	[tilespmem:v20+s26+$0x0] =	vst.idx.msk $0xffff, v32  }
0x113: {  	v32 =	vld [tilespmem:$0x950];
	_ =	sdelay $0x4  }
0x114: {  	[tilespmem:v21+s26+$0x0] =	vst.idx.msk $0xffff, v32  }
0x115: {  	v32 =	vld [tilespmem:$0x960];
	_ =	sdelay $0x4  }
0x116: {  	[tilespmem:v22+s26+$0x0] =	vst.idx.msk $0xffff, v32  }
0x117: {  	v32 =	vld [tilespmem:$0x970];
	_ =	sdelay $0x4  }
0x118: {  	[tilespmem:v23+s26+$0x0] =	vst.idx.msk $0xffff, v32  }
0x119: {  	v32 =	vld [tilespmem:$0x980];
	_ =	sdelay $0x4  }
0x11a: {  	[tilespmem:v24+s26+$0x0] =	vst.idx.msk $0xffff, v32  }
0x11b: {  	v32 =	vld [tilespmem:$0x990];
	_ =	sdelay $0x4  }
0x11c: {  	[tilespmem:v25+s26+$0x0] =	vst.idx.msk $0xffff, v32  }
0x11d: {  	v32 =	vld [tilespmem:$0x9A0];
	_ =	sdelay $0x4  }
0x11e: {  	[tilespmem:v26+s26+$0x0] =	vst.idx.msk $0xffff, v32  }
0x11f: {  	v32 =	vld [tilespmem:$0x9B0];
	_ =	sdelay $0x4  }
0x120: {  	[tilespmem:v27+s26+$0x0] =	vst.idx.msk $0xffff, v32  }
0x121: {  	v32 =	vld [tilespmem:$0x9C0];
	_ =	sdelay $0x4  }
0x122: {  	[tilespmem:v28+s26+$0x0] =	vst.idx.msk $0xffff, v32  }
0x123: {  	v32 =	vld [tilespmem:$0x9D0];
	_ =	sdelay $0x4  }
0x124: {  	[tilespmem:v29+s26+$0x0] =	vst.idx.msk $0xffff, v32  }
0x125: {  	v32 =	vld [tilespmem:$0x9E0];
	_ =	sdelay $0x4  }
0x126: {  	[tilespmem:v30+s26+$0x0] =	vst.idx.msk $0xffff, v32  }
0x127: {  	v32 =	vld [tilespmem:$0x9F0];
	_ =	sdelay $0x4  }
0x128: {  	s11 =	rddreg [dreg:$0x5];
	[tilespmem:v31+s26+$0x0] =	vst.idx.msk $0xffff, v32  }
0x129: {  	[hbm4b:s11+s2] =	stream.linear.scatter [tilespmem:s28], [sflag:$0x5], $0x4000, $0x38;
	[tilespmem:$0x9000] =	vst v63  }
0x12a: {  	_ =	swait.ge [sflag:s29], $0x80  }
0x12b: {  	[sflag:s29] =	ssyncset.done $0x0  }
0x12c: {  	[sflag:s29] =	ssyncadd.s32 $0xFFFFFF80  }
0x12d: {  	_ =	swait.ge [sflag:s29], $0x80  }
0x12e: {  	[sflag:s29] =	ssyncset.done $0x0  }
0x12f: {  	[sflag:s29] =	ssyncadd.s32 $0xFFFFFF80  }
0x130: {  	_ =	swait.ge [sflag:s29], $0x80  }
0x131: {  	[sflag:s29] =	ssyncset.done $0x0  }
0x132: {  	[sflag:s29] =	ssyncadd.s32 $0xFFFFFF80  }
0x133: {  	_ =	swait.ge [sflag:s29], $0x80  }
0x134: {  	[sflag:s29] =	ssyncset.done $0x0  }
0x135: {  	[sflag:s29] =	ssyncadd.s32 $0xFFFFFF80  }
0x136: {  	_ =	swait.ge [sflag:s30], $0x4000  }
0x137: {  	[sflag:s30] =	ssyncset.done $0x0  }
0x138: {  	[sflag:s30] =	ssyncadd.s32 $0xFFFFC000  }
0x139: {  	v58 =	vld [tilespmem:$0xA00];
	_ =	sdelay $0x4  }
0x13a: {  	[tilespmem:v0+s26+$0x0] =	vst.idx.msk $0xffff, v58  }
0x13b: {  	v32 =	vld [tilespmem:$0xA10];
	_ =	sdelay $0x4  }
0x13c: {  	[tilespmem:v1+s26+$0x0] =	vst.idx.msk $0xffff, v32  }
0x13d: {  	v32 =	vld [tilespmem:$0xA20];
	_ =	sdelay $0x4  }
0x13e: {  	[tilespmem:v2+s26+$0x0] =	vst.idx.msk $0xffff, v32  }
0x13f: {  	v32 =	vld [tilespmem:$0xA30];
	_ =	sdelay $0x4  }
0x140: {  	[tilespmem:v3+s26+$0x0] =	vst.idx.msk $0xffff, v32  }
0x141: {  	v32 =	vld [tilespmem:$0xA40];
	_ =	sdelay $0x4  }
0x142: {  	[tilespmem:v4+s26+$0x0] =	vst.idx.msk $0xffff, v32  }
0x143: {  	v32 =	vld [tilespmem:$0xA50];
	_ =	sdelay $0x4  }
0x144: {  	[tilespmem:v5+s26+$0x0] =	vst.idx.msk $0xffff, v32  }
0x145: {  	v32 =	vld [tilespmem:$0xA60];
	_ =	sdelay $0x4  }
0x146: {  	[tilespmem:v6+s26+$0x0] =	vst.idx.msk $0xffff, v32  }
0x147: {  	v32 =	vld [tilespmem:$0xA70];
	_ =	sdelay $0x4  }
0x148: {  	[tilespmem:v7+s26+$0x0] =	vst.idx.msk $0xffff, v32  }
0x149: {  	v32 =	vld [tilespmem:$0xA80];
	_ =	sdelay $0x4  }
0x14a: {  	[tilespmem:v8+s26+$0x0] =	vst.idx.msk $0xffff, v32  }
0x14b: {  	v32 =	vld [tilespmem:$0xA90];
	_ =	sdelay $0x4  }
0x14c: {  	[tilespmem:v9+s26+$0x0] =	vst.idx.msk $0xffff, v32  }
0x14d: {  	v32 =	vld [tilespmem:$0xAA0];
	_ =	sdelay $0x4  }
0x14e: {  	[tilespmem:v10+s26+$0x0] =	vst.idx.msk $0xffff, v32  }
0x14f: {  	v32 =	vld [tilespmem:$0xAB0];
	_ =	sdelay $0x4  }
0x150: {  	[tilespmem:v11+s26+$0x0] =	vst.idx.msk $0xffff, v32  }
0x151: {  	v32 =	vld [tilespmem:$0xAC0];
	_ =	sdelay $0x4  }
0x152: {  	[tilespmem:v12+s26+$0x0] =	vst.idx.msk $0xffff, v32  }
0x153: {  	v32 =	vld [tilespmem:$0xAD0];
	_ =	sdelay $0x4  }
0x154: {  	[tilespmem:v13+s26+$0x0] =	vst.idx.msk $0xffff, v32  }
0x155: {  	v32 =	vld [tilespmem:$0xAE0];
	_ =	sdelay $0x4  }
0x156: {  	[tilespmem:v14+s26+$0x0] =	vst.idx.msk $0xffff, v32  }
0x157: {  	v32 =	vld [tilespmem:$0xAF0];
	_ =	sdelay $0x4  }
0x158: {  	s9 =	rddreg [dreg:$0x6];
	[tilespmem:v15+s26+$0x0] =	vst.idx.msk $0xffff, v32  }
0x159: {  	[hbm4b:s9+s2] =	stream.linear.scatter [tilespmem:s26], [sflag:$0x5], $0x4000, $0x38;
	[tilespmem:$0x9000] =	vst v63  }
0x15a: {  	_ =	swait.ge [sflag:s30], $0x4000  }
0x15b: {  	[sflag:s30] =	ssyncset.done $0x0  }
0x15c: {  	[sflag:s30] =	ssyncadd.s32 $0xFFFFC000  }
0x15d: {  	v59 =	vld [tilespmem:$0xB00];
	_ =	sdelay $0x4  }
0x15e: {  	[tilespmem:v16+s26+$0x0] =	vst.idx.msk $0xffff, v59  }
0x15f: {  	v32 =	vld [tilespmem:$0xB10];
	_ =	sdelay $0x4  }
0x160: {  	[tilespmem:v17+s26+$0x0] =	vst.idx.msk $0xffff, v32  }
0x161: {  	v32 =	vld [tilespmem:$0xB20];
	_ =	sdelay $0x4  }
0x162: {  	[tilespmem:v18+s26+$0x0] =	vst.idx.msk $0xffff, v32  }
0x163: {  	v32 =	vld [tilespmem:$0xB30];
	_ =	sdelay $0x4  }
0x164: {  	[tilespmem:v19+s26+$0x0] =	vst.idx.msk $0xffff, v32  }
0x165: {  	v32 =	vld [tilespmem:$0xB40];
	_ =	sdelay $0x4  }
0x166: {  	[tilespmem:v20+s26+$0x0] =	vst.idx.msk $0xffff, v32  }
0x167: {  	v32 =	vld [tilespmem:$0xB50];
	_ =	sdelay $0x4  }
0x168: {  	[tilespmem:v21+s26+$0x0] =	vst.idx.msk $0xffff, v32  }
0x169: {  	v32 =	vld [tilespmem:$0xB60];
	_ =	sdelay $0x4  }
0x16a: {  	[tilespmem:v22+s26+$0x0] =	vst.idx.msk $0xffff, v32  }
0x16b: {  	v32 =	vld [tilespmem:$0xB70];
	_ =	sdelay $0x4  }
0x16c: {  	[tilespmem:v23+s26+$0x0] =	vst.idx.msk $0xffff, v32  }
0x16d: {  	v32 =	vld [tilespmem:$0xB80];
	_ =	sdelay $0x4  }
0x16e: {  	[tilespmem:v24+s26+$0x0] =	vst.idx.msk $0xffff, v32  }
0x16f: {  	v32 =	vld [tilespmem:$0xB90];
	_ =	sdelay $0x4  }
0x170: {  	[tilespmem:v25+s26+$0x0] =	vst.idx.msk $0xffff, v32  }
0x171: {  	v32 =	vld [tilespmem:$0xBA0];
	_ =	sdelay $0x4  }
0x172: {  	[tilespmem:v26+s26+$0x0] =	vst.idx.msk $0xffff, v32  }
0x173: {  	v32 =	vld [tilespmem:$0xBB0];
	_ =	sdelay $0x4  }
0x174: {  	[tilespmem:v27+s26+$0x0] =	vst.idx.msk $0xffff, v32  }
0x175: {  	v32 =	vld [tilespmem:$0xBC0];
	_ =	sdelay $0x4  }
0x176: {  	[tilespmem:v28+s26+$0x0] =	vst.idx.msk $0xffff, v32  }
0x177: {  	v32 =	vld [tilespmem:$0xBD0];
	_ =	sdelay $0x4  }
0x178: {  	[tilespmem:v29+s26+$0x0] =	vst.idx.msk $0xffff, v32  }
0x179: {  	v32 =	vld [tilespmem:$0xBE0];
	_ =	sdelay $0x4  }
0x17a: {  	[tilespmem:v30+s26+$0x0] =	vst.idx.msk $0xffff, v32  }
0x17b: {  	v32 =	vld [tilespmem:$0xBF0];
	_ =	sdelay $0x4  }
0x17c: {  	s10 =	rddreg [dreg:$0x7];
	[tilespmem:v31+s26+$0x0] =	vst.idx.msk $0xffff, v32  }
0x17d: {  	[hbm4b:s10+s2] =	stream.linear.scatter [tilespmem:s28], [sflag:$0x5], $0x4000, $0x38;
	[tilespmem:$0x9000] =	vst v63  }
0x17e: {  	_ =	swait.ge [sflag:s31], $0x80  }
0x17f: {  	[sflag:s31] =	ssyncset.done $0x0  }
0x180: {  	[sflag:s31] =	ssyncadd.s32 $0xFFFFFF80  }
0x181: {  	_ =	swait.ge [sflag:s31], $0x80  }
0x182: {  	[sflag:s31] =	ssyncset.done $0x0  }
0x183: {  	[sflag:s31] =	ssyncadd.s32 $0xFFFFFF80  }
0x184: {  	_ =	swait.ge [sflag:s31], $0x80  }
0x185: {  	[sflag:s31] =	ssyncset.done $0x0  }
0x186: {  	[sflag:s31] =	ssyncadd.s32 $0xFFFFFF80  }
0x187: {  	_ =	swait.ge [sflag:s31], $0x80  }
0x188: {  	[sflag:s31] =	ssyncset.done $0x0  }
0x189: {  	[sflag:s31] =	ssyncadd.s32 $0xFFFFFF80  }
0x18a: {  	_ =	swait.ge [sflag:s30], $0x4000  }
0x18b: {  	[sflag:s30] =	ssyncset.done $0x0  }
0x18c: {  	[sflag:s30] =	ssyncadd.s32 $0xFFFFC000  }
0x18d: {  	v60 =	vld [tilespmem:$0xC00];
	_ =	sdelay $0x4  }
0x18e: {  	[tilespmem:v0+s26+$0x0] =	vst.idx.msk $0xffff, v60  }
0x18f: {  	v32 =	vld [tilespmem:$0xC10];
	_ =	sdelay $0x4  }
0x190: {  	[tilespmem:v1+s26+$0x0] =	vst.idx.msk $0xffff, v32  }
0x191: {  	v32 =	vld [tilespmem:$0xC20];
	_ =	sdelay $0x4  }
0x192: {  	[tilespmem:v2+s26+$0x0] =	vst.idx.msk $0xffff, v32  }
0x193: {  	v32 =	vld [tilespmem:$0xC30];
	_ =	sdelay $0x4  }
0x194: {  	[tilespmem:v3+s26+$0x0] =	vst.idx.msk $0xffff, v32  }
0x195: {  	v32 =	vld [tilespmem:$0xC40];
	_ =	sdelay $0x4  }
0x196: {  	[tilespmem:v4+s26+$0x0] =	vst.idx.msk $0xffff, v32  }
0x197: {  	v32 =	vld [tilespmem:$0xC50];
	_ =	sdelay $0x4  }
0x198: {  	[tilespmem:v5+s26+$0x0] =	vst.idx.msk $0xffff, v32  }
0x199: {  	v32 =	vld [tilespmem:$0xC60];
	_ =	sdelay $0x4  }
0x19a: {  	[tilespmem:v6+s26+$0x0] =	vst.idx.msk $0xffff, v32  }
0x19b: {  	v32 =	vld [tilespmem:$0xC70];
	_ =	sdelay $0x4  }
0x19c: {  	[tilespmem:v7+s26+$0x0] =	vst.idx.msk $0xffff, v32  }
0x19d: {  	v32 =	vld [tilespmem:$0xC80];
	_ =	sdelay $0x4  }
0x19e: {  	[tilespmem:v8+s26+$0x0] =	vst.idx.msk $0xffff, v32  }
0x19f: {  	v32 =	vld [tilespmem:$0xC90];
	_ =	sdelay $0x4  }
0x1a0: {  	[tilespmem:v9+s26+$0x0] =	vst.idx.msk $0xffff, v32  }
0x1a1: {  	v32 =	vld [tilespmem:$0xCA0];
	_ =	sdelay $0x4  }
0x1a2: {  	[tilespmem:v10+s26+$0x0] =	vst.idx.msk $0xffff, v32  }
0x1a3: {  	v32 =	vld [tilespmem:$0xCB0];
	_ =	sdelay $0x4  }
0x1a4: {  	[tilespmem:v11+s26+$0x0] =	vst.idx.msk $0xffff, v32  }
0x1a5: {  	v32 =	vld [tilespmem:$0xCC0];
	_ =	sdelay $0x4  }
0x1a6: {  	[tilespmem:v12+s26+$0x0] =	vst.idx.msk $0xffff, v32  }
0x1a7: {  	v32 =	vld [tilespmem:$0xCD0];
	_ =	sdelay $0x4  }
0x1a8: {  	[tilespmem:v13+s26+$0x0] =	vst.idx.msk $0xffff, v32  }
0x1a9: {  	v32 =	vld [tilespmem:$0xCE0];
	_ =	sdelay $0x4  }
0x1aa: {  	[tilespmem:v14+s26+$0x0] =	vst.idx.msk $0xffff, v32  }
0x1ab: {  	v32 =	vld [tilespmem:$0xCF0];
	_ =	sdelay $0x4  }
0x1ac: {  	s11 =	rddreg [dreg:$0x8];
	[tilespmem:v15+s26+$0x0] =	vst.idx.msk $0xffff, v32  }
0x1ad: {  	[hbm4b:s11+s2] =	stream.linear.scatter [tilespmem:s26], [sflag:$0x5], $0x4000, $0x38;
	[tilespmem:$0x9000] =	vst v63  }
0x1ae: {  	_ =	swait.ge [sflag:s30], $0x4000  }
0x1af: {  	[sflag:s30] =	ssyncset.done $0x0  }
0x1b0: {  	[sflag:s30] =	ssyncadd.s32 $0xFFFFC000  }
0x1b1: {  	v61 =	vld [tilespmem:$0xD00];
	_ =	sdelay $0x4  }
0x1b2: {  	[tilespmem:v16+s26+$0x0] =	vst.idx.msk $0xffff, v61  }
0x1b3: {  	v32 =	vld [tilespmem:$0xD10];
	_ =	sdelay $0x4  }
0x1b4: {  	[tilespmem:v17+s26+$0x0] =	vst.idx.msk $0xffff, v32  }
0x1b5: {  	v32 =	vld [tilespmem:$0xD20];
	_ =	sdelay $0x4  }
0x1b6: {  	[tilespmem:v18+s26+$0x0] =	vst.idx.msk $0xffff, v32  }
0x1b7: {  	v32 =	vld [tilespmem:$0xD30];
	_ =	sdelay $0x4  }
0x1b8: {  	[tilespmem:v19+s26+$0x0] =	vst.idx.msk $0xffff, v32  }
0x1b9: {  	v32 =	vld [tilespmem:$0xD40];
	_ =	sdelay $0x4  }
0x1ba: {  	[tilespmem:v20+s26+$0x0] =	vst.idx.msk $0xffff, v32  }
0x1bb: {  	v32 =	vld [tilespmem:$0xD50];
	_ =	sdelay $0x4  }
0x1bc: {  	[tilespmem:v21+s26+$0x0] =	vst.idx.msk $0xffff, v32  }
0x1bd: {  	v32 =	vld [tilespmem:$0xD60];
	_ =	sdelay $0x4  }
0x1be: {  	[tilespmem:v22+s26+$0x0] =	vst.idx.msk $0xffff, v32  }
0x1bf: {  	v32 =	vld [tilespmem:$0xD70];
	_ =	sdelay $0x4  }
0x1c0: {  	[tilespmem:v23+s26+$0x0] =	vst.idx.msk $0xffff, v32  }
0x1c1: {  	v32 =	vld [tilespmem:$0xD80];
	_ =	sdelay $0x4  }
0x1c2: {  	[tilespmem:v24+s26+$0x0] =	vst.idx.msk $0xffff, v32  }
0x1c3: {  	v32 =	vld [tilespmem:$0xD90];
	_ =	sdelay $0x4  }
0x1c4: {  	[tilespmem:v25+s26+$0x0] =	vst.idx.msk $0xffff, v32  }
0x1c5: {  	v32 =	vld [tilespmem:$0xDA0];
	_ =	sdelay $0x4  }
0x1c6: {  	[tilespmem:v26+s26+$0x0] =	vst.idx.msk $0xffff, v32  }
0x1c7: {  	v32 =	vld [tilespmem:$0xDB0];
	_ =	sdelay $0x4  }
0x1c8: {  	[tilespmem:v27+s26+$0x0] =	vst.idx.msk $0xffff, v32  }
0x1c9: {  	v32 =	vld [tilespmem:$0xDC0];
	_ =	sdelay $0x4  }
0x1ca: {  	[tilespmem:v28+s26+$0x0] =	vst.idx.msk $0xffff, v32  }
0x1cb: {  	v32 =	vld [tilespmem:$0xDD0];
	_ =	sdelay $0x4  }
0x1cc: {  	[tilespmem:v29+s26+$0x0] =	vst.idx.msk $0xffff, v32  }
0x1cd: {  	v32 =	vld [tilespmem:$0xDE0];
	_ =	sdelay $0x4  }
0x1ce: {  	[tilespmem:v30+s26+$0x0] =	vst.idx.msk $0xffff, v32  }
0x1cf: {  	v32 =	vld [tilespmem:$0xDF0];
	_ =	sdelay $0x4  }
0x1d0: {  	s9 =	rddreg [dreg:$0x9];
	[tilespmem:v31+s26+$0x0] =	vst.idx.msk $0xffff, v32  }
0x1d1: {  	[hbm4b:s9+s2] =	stream.linear.scatter [tilespmem:s28], [sflag:$0x5], $0x4000, $0x38;
	[tilespmem:$0x9000] =	vst v63  }
0x1d2: {  	_ =	swait.ge [sflag:s0], $0x80  }
0x1d3: {  	[sflag:s0] =	ssyncset.done $0x0  }
0x1d4: {  	[sflag:s0] =	ssyncadd.s32 $0xFFFFFF80  }
0x1d5: {  	_ =	swait.ge [sflag:s0], $0x80  }
0x1d6: {  	[sflag:s0] =	ssyncset.done $0x0  }
0x1d7: {  	[sflag:s0] =	ssyncadd.s32 $0xFFFFFF80  }
0x1d8: {  	_ =	swait.ge [sflag:s0], $0x80  }
0x1d9: {  	[sflag:s0] =	ssyncset.done $0x0  }
0x1da: {  	[sflag:s0] =	ssyncadd.s32 $0xFFFFFF80  }
0x1db: {  	_ =	swait.ge [sflag:s0], $0x80  }
0x1dc: {  	[sflag:s0] =	ssyncset.done $0x0  }
0x1dd: {  	[sflag:s0] =	ssyncadd.s32 $0xFFFFFF80  }
0x1de: {  	_ =	swait.ge [sflag:s30], $0x4000  }
0x1df: {  	[sflag:s30] =	ssyncset.done $0x0  }
0x1e0: {  	[sflag:s30] =	ssyncadd.s32 $0xFFFFC000  }
0x1e1: {  	v62 =	vld [tilespmem:$0xE00];
	_ =	sdelay $0x4  }
0x1e2: {  	[tilespmem:v0+s26+$0x0] =	vst.idx.msk $0xffff, v62  }
0x1e3: {  	v32 =	vld [tilespmem:$0xE10];
	_ =	sdelay $0x4  }
0x1e4: {  	[tilespmem:v1+s26+$0x0] =	vst.idx.msk $0xffff, v32  }
0x1e5: {  	v32 =	vld [tilespmem:$0xE20];
	_ =	sdelay $0x4  }
0x1e6: {  	[tilespmem:v2+s26+$0x0] =	vst.idx.msk $0xffff, v32  }
0x1e7: {  	v32 =	vld [tilespmem:$0xE30];
	_ =	sdelay $0x4  }
0x1e8: {  	[tilespmem:v3+s26+$0x0] =	vst.idx.msk $0xffff, v32  }
0x1e9: {  	v32 =	vld [tilespmem:$0xE40];
	_ =	sdelay $0x4  }
0x1ea: {  	[tilespmem:v4+s26+$0x0] =	vst.idx.msk $0xffff, v32  }
0x1eb: {  	v32 =	vld [tilespmem:$0xE50];
	_ =	sdelay $0x4  }
0x1ec: {  	[tilespmem:v5+s26+$0x0] =	vst.idx.msk $0xffff, v32  }
0x1ed: {  	v32 =	vld [tilespmem:$0xE60];
	_ =	sdelay $0x4  }
0x1ee: {  	[tilespmem:v6+s26+$0x0] =	vst.idx.msk $0xffff, v32  }
0x1ef: {  	v32 =	vld [tilespmem:$0xE70];
	_ =	sdelay $0x4  }
0x1f0: {  	[tilespmem:v7+s26+$0x0] =	vst.idx.msk $0xffff, v32  }
0x1f1: {  	v32 =	vld [tilespmem:$0xE80];
	_ =	sdelay $0x4  }
0x1f2: {  	[tilespmem:v8+s26+$0x0] =	vst.idx.msk $0xffff, v32  }
0x1f3: {  	v32 =	vld [tilespmem:$0xE90];
	_ =	sdelay $0x4  }
0x1f4: {  	[tilespmem:v9+s26+$0x0] =	vst.idx.msk $0xffff, v32  }
0x1f5: {  	v32 =	vld [tilespmem:$0xEA0];
	_ =	sdelay $0x4  }
0x1f6: {  	[tilespmem:v10+s26+$0x0] =	vst.idx.msk $0xffff, v32  }
0x1f7: {  	v32 =	vld [tilespmem:$0xEB0];
	_ =	sdelay $0x4  }
0x1f8: {  	[tilespmem:v11+s26+$0x0] =	vst.idx.msk $0xffff, v32  }
0x1f9: {  	v32 =	vld [tilespmem:$0xEC0];
	_ =	sdelay $0x4  }
0x1fa: {  	[tilespmem:v12+s26+$0x0] =	vst.idx.msk $0xffff, v32  }
0x1fb: {  	v32 =	vld [tilespmem:$0xED0];
	_ =	sdelay $0x4  }
0x1fc: {  	[tilespmem:v13+s26+$0x0] =	vst.idx.msk $0xffff, v32  }
0x1fd: {  	v32 =	vld [tilespmem:$0xEE0];
	_ =	sdelay $0x4  }
0x1fe: {  	[tilespmem:v14+s26+$0x0] =	vst.idx.msk $0xffff, v32  }
0x1ff: {  	v32 =	vld [tilespmem:$0xEF0];
	_ =	sdelay $0x4  }
0x200: {  	s10 =	rddreg [dreg:$0xa];
	[tilespmem:v15+s26+$0x0] =	vst.idx.msk $0xffff, v32  }
0x201: {  	[hbm4b:s10+s2] =	stream.linear.scatter [tilespmem:s26], [sflag:$0x5], $0x4000, $0x38;
	[tilespmem:$0x9000] =	vst v63  }
0x202: {  	_ =	swait.ge [sflag:s30], $0x4000  }
0x203: {  	[sflag:s30] =	ssyncset.done $0x0  }
0x204: {  	[sflag:s30] =	ssyncadd.s32 $0xFFFFC000  }
0x205: {  	v63 =	vld [tilespmem:$0xF00];
	_ =	sdelay $0x4  }
0x206: {  	[tilespmem:v16+s26+$0x0] =	vst.idx.msk $0xffff, v63  }
0x207: {  	v32 =	vld [tilespmem:$0xF10];
	_ =	sdelay $0x4  }
0x208: {  	[tilespmem:v17+s26+$0x0] =	vst.idx.msk $0xffff, v32  }
0x209: {  	v32 =	vld [tilespmem:$0xF20];
	_ =	sdelay $0x4  }
0x20a: {  	[tilespmem:v18+s26+$0x0] =	vst.idx.msk $0xffff, v32  }
0x20b: {  	v32 =	vld [tilespmem:$0xF30];
	_ =	sdelay $0x4  }
0x20c: {  	[tilespmem:v19+s26+$0x0] =	vst.idx.msk $0xffff, v32  }
0x20d: {  	v32 =	vld [tilespmem:$0xF40];
	_ =	sdelay $0x4  }
0x20e: {  	[tilespmem:v20+s26+$0x0] =	vst.idx.msk $0xffff, v32  }
0x20f: {  	v32 =	vld [tilespmem:$0xF50];
	_ =	sdelay $0x4  }
0x210: {  	[tilespmem:v21+s26+$0x0] =	vst.idx.msk $0xffff, v32  }
0x211: {  	v32 =	vld [tilespmem:$0xF60];
	_ =	sdelay $0x4  }
0x212: {  	[tilespmem:v22+s26+$0x0] =	vst.idx.msk $0xffff, v32  }
0x213: {  	v32 =	vld [tilespmem:$0xF70];
	_ =	sdelay $0x4  }
0x214: {  	[tilespmem:v23+s26+$0x0] =	vst.idx.msk $0xffff, v32  }
0x215: {  	v32 =	vld [tilespmem:$0xF80];
	_ =	sdelay $0x4  }
0x216: {  	[tilespmem:v24+s26+$0x0] =	vst.idx.msk $0xffff, v32  }
0x217: {  	v32 =	vld [tilespmem:$0xF90];
	_ =	sdelay $0x4  }
0x218: {  	[tilespmem:v25+s26+$0x0] =	vst.idx.msk $0xffff, v32  }
0x219: {  	v32 =	vld [tilespmem:$0xFA0];
	_ =	sdelay $0x4  }
0x21a: {  	[tilespmem:v26+s26+$0x0] =	vst.idx.msk $0xffff, v32  }
0x21b: {  	v32 =	vld [tilespmem:$0xFB0];
	_ =	sdelay $0x4  }
0x21c: {  	[tilespmem:v27+s26+$0x0] =	vst.idx.msk $0xffff, v32  }
0x21d: {  	v32 =	vld [tilespmem:$0xFC0];
	_ =	sdelay $0x4  }
0x21e: {  	[tilespmem:v28+s26+$0x0] =	vst.idx.msk $0xffff, v32  }
0x21f: {  	v32 =	vld [tilespmem:$0xFD0];
	_ =	sdelay $0x4  }
0x220: {  	[tilespmem:v29+s26+$0x0] =	vst.idx.msk $0xffff, v32  }
0x221: {  	v32 =	vld [tilespmem:$0xFE0];
	_ =	sdelay $0x4  }
0x222: {  	[tilespmem:v30+s26+$0x0] =	vst.idx.msk $0xffff, v32  }
0x223: {  	v32 =	vld [tilespmem:$0xFF0];
	_ =	sdelay $0x4  }
0x224: {  	s11 =	rddreg [dreg:$0xb];
	[tilespmem:v31+s26+$0x0] =	vst.idx.msk $0xffff, v32  }
0x225: {  	[hbm4b:s11+s2] =	stream.linear.scatter [tilespmem:s28], [sflag:$0x5], $0x4000, $0x38;
	[tilespmem:$0x9000] =	vst v63  }
0x226: {  	p0 =	sne.s32 s5, $0x1;
	_ =	swait.ge [sflag:s30], $0x4000  }
.Ltmp0:
0x227: {  	[sflag:s30] =	ssyncset.done $0x0;
	(pc) =	sbr.rel @p0 .LBB2_1-.Ltmp0, $4  }
0x228: {  	[sflag:s30] =	ssyncadd.s32 $0xFFFFC000  }
0x229: {  	_ =	swait.ge [sflag:s30], $0x4000  }
0x22a: {  	[sflag:s30] =	ssyncset.done $0x0  }
0x22b: {  	s5 =	sadd.s32 $0xFFFFFFFF, s5;
	[sflag:s30] =	ssyncadd.s32 $0xFFFFC000  }
0x22c: {  	_ =	sfence.sel $0x180000  }
0x22d: {  	[bflag:$0x0] =	sbarrier.arrive $0xFFFF  }
0x22e: {  	_ =	strace $0x90000047  }
0x22f: {  	s0 =	stileid.u32;
	[bflag:$0x2] =	sbarrier.arrive $0xFFFF  }
0x230: {  	p0 =	sne.s32 s0, $0x0;
	s0 =	rddreg [dreg:$0x2]  }
0x231: {  	s0 =	sadd.s32 @!p0 $0x100000, s0  }
0x232: {  	[sflag:s0] =	ssyncadd.tile.s32 @!p0 $0x1;
	_ =	shalt  }
.Lfunc_end2:
_tile_overlayer_lowered:
.L_overlay_start_2:
0x233: {  	(tag) =	ssettag $0x2  }
0x234: {  	s0 =	rddreg [dreg:$0x0];
	s2 =	stileid.u32  }
0x235: {  	s1 =	rddreg [dreg:$0x1];
	p0 =	sne.s32 s2, $0x0  }
0x236: {  	s3 =	rddreg [dreg:$0x2];
	[bflag:$0x3] =	sbarrier.arrive $0xFFFF;
	s2 =	simm.s32 @!p0 $0x1C06  }
0x237: {  	[timem:s3], [sflag:s2] =	dma.local @!p0 [hbm:s0], s1  }
0x238: {  	s0 =	simm.s32 @!p0 $0x6  }
0x239: {  	_ =	swait.ge @!p0 [sflag:s0], s1  }
0x23a: {  	s1 =	ssub.s32 @!p0 $0x0, s1;
	[sflag:s0] =	ssyncset.done @!p0 $0x0  }
0x23b: {  	[sflag:s0] =	ssyncadd.s32 @!p0 s1  }
0x23c: {  	[bflag:$0x3] =	sbarrier.arrive $0xFFFF  }
0x23d: {  	_ =	shalt  }

</sc_bundles>
